<compile_context>
chip_gen: v7x
topology: tpu7x:2x2x1
jax: 0.10.2.dev20260603
libtpu: 0.0.44.dev20260713+nightly
codegen_flags: <defaults>
</compile_context>

<pallas_src>
import functools

import numpy as np
import jax
from jax import lax
import jax.numpy as jnp
from jax.experimental import pallas as pl
from jax.experimental.pallas import tpu as pltpu
from jax.experimental.pallas import tpu_sc as plsc

_KS0 = np.uint32(0)
_KS1 = np.uint32(1234)
_KS2 = np.uint32(0 ^ 1234 ^ 0x1BD11BDA)
_KSCH = (_KS0, _KS1, _KS2)
_ROT = ((13, 15, 26, 6), (17, 29, 16, 24))

_LO = np.nextafter(np.float32(-1.0), np.float32(0.0))

_ERFINV_COEF = (
    np.float32(7.9537160e-05), np.float32(-1.7974426e-03),
    np.float32(1.6159540e-02), np.float32(-7.1861416e-02),
    np.float32(1.5740238e-01), np.float32(-1.6248988e-01),
    np.float32(3.1472448e-01), np.float32(-1.9252552e-02),
    np.float32(1.2543312e+00),
)


def _threefry_bits(x1_init):
    x1 = x1_init
    x0 = x1
    first = True
    for i in range(5):
        for r in _ROT[i % 2]:
            if first:
                first = False
            else:
                x0 = x0 + x1
            x1 = (x1 << r) | (x1 >> (32 - r))
            x1 = x1 ^ x0
        x0 = x0 + _KSCH[(i + 1) % 3]
        x1 = x1 + np.uint32(int(_KSCH[(i + 2) % 3]) + i + 1)
    return x0 ^ x1


def _bits_to_normal(bits):
    fl2 = jax.lax.bitcast_convert_type(
        (bits >> 9) | np.uint32(0x40000000), jnp.float32)
    u = jnp.maximum(_LO, fl2 - np.float32(3.0))
    s = jnp.sqrt(-jnp.log2(np.float32(1.0) - u * u))
    p = jnp.full(s.shape, _ERFINV_COEF[0])
    for c in _ERFINV_COEF[1:]:
        p = p * s + c
    return p * u


def _sc_gather(table2, idx):
    info = plsc.get_sparse_core_info()
    nc = info.num_cores
    nb = idx.shape[0]
    d = table2.shape[1]
    mesh = plsc.VectorSubcoreMesh(core_axis_name="c", subcore_axis_name="s")

    @functools.partial(
        pl.kernel, mesh=mesh,
        out_type=jax.ShapeDtypeStruct((nb, d), jnp.float32),
        scratch_types=[
            pltpu.VMEM((nb,), jnp.int32),
            pltpu.VMEM((nb, d), jnp.float32),
            pltpu.SemaphoreType.DMA,
        ],
    )
    def k(table_hbm, idx_hbm, out_hbm, idx_v, rows_v, sem):
        wid = lax.axis_index("s") * nc + lax.axis_index("c")

        @pl.when(wid == 0)
        def _():
            pltpu.sync_copy(idx_hbm, idx_v)
            pltpu.async_copy(table_hbm.at[idx_v], rows_v, sem).wait()
            pltpu.sync_copy(rows_v, out_hbm)

    return k(table2, idx)


def _noiser_kernel(sa_ref, sm_ref, x0_ref, xt_ref, eps_ref,
                   *, nb_steps, c, w, h):
    b = pl.program_id(0)
    x0 = x0_ref[0]
    shp = (c, w, h)
    local = (jax.lax.broadcasted_iota(jnp.uint32, shp, 0) * np.uint32(w * h)
             + jax.lax.broadcasted_iota(jnp.uint32, shp, 1) * np.uint32(h)
             + jax.lax.broadcasted_iota(jnp.uint32, shp, 2))
    for s in range(nb_steps):
        base = (b * nb_steps + s) * (c * w * h) + 1234
        x1_init = jax.lax.convert_element_type(base, jnp.uint32) + local
        eps = _bits_to_normal(_threefry_bits(x1_init))
        sa = sa_ref[b, s]
        sm = sm_ref[b, s]
        eps_ref[0, s] = eps
        xt_ref[0, s] = sa * x0 + eps * sm


def kernel(x_0, t, sqrt_alphas_cum_prod, sqrt_minus_one_alphas_cum_prod):
    b, c, w, h = x_0.shape
    nb_steps = t.shape[1]

    table2 = jnp.concatenate(
        [sqrt_alphas_cum_prod[:, None], sqrt_minus_one_alphas_cum_prod[:, None],
         jnp.zeros((sqrt_alphas_cum_prod.shape[0], 126), jnp.float32)], axis=1)
    gathered = _sc_gather(table2, t.reshape(-1))
    sa_g = gathered[:, 0].reshape(b, nb_steps)
    sm_g = gathered[:, 1].reshape(b, nb_steps)

    out_shape = [
        jax.ShapeDtypeStruct((b, nb_steps, c, w, h), jnp.float32),
        jax.ShapeDtypeStruct((b, nb_steps, c, w, h), jnp.float32),
    ]
    kern = functools.partial(_noiser_kernel, nb_steps=nb_steps, c=c, w=w, h=h)
    xt, eps = pl.pallas_call(
        kern,
        grid=(b,),
        in_specs=[
            pl.BlockSpec(memory_space=pltpu.SMEM),
            pl.BlockSpec(memory_space=pltpu.SMEM),
            pl.BlockSpec((1, c, w, h), lambda bi: (bi, 0, 0, 0)),
        ],
        out_specs=[
            pl.BlockSpec((1, nb_steps, c, w, h),
                         lambda bi: (bi, 0, 0, 0, 0)),
            pl.BlockSpec((1, nb_steps, c, w, h),
                         lambda bi: (bi, 0, 0, 0, 0)),
        ],
        out_shape=out_shape,
        compiler_params=pltpu.CompilerParams(
            dimension_semantics=("arbitrary",)),
    )(sa_g, sm_g, x_0)
    return (xt, eps)

# --- scband reference (transcript-rebuilt; emitter-appended) ---
"""Pipeline reference for scband-noiser-6158983103055 (READ-ONLY COPY).

The authoritative reference and input builder live on the scoring server;
editing this copy changes nothing except your own understanding.
"""

import jax, jax.numpy as jnp
import numpy as np

STEPS = 1000
BETA_1 = 0.0001
BETA_T = 0.02


def _make_buffers():
    betas = jnp.linspace(BETA_1, BETA_T, STEPS)
    alphas = 1.0 - betas
    alphas_cum_prod = jnp.cumprod(alphas)
    sqrt_alphas_cum_prod = jnp.sqrt(alphas_cum_prod)
    sqrt_minus_one_alphas_cum_prod = jnp.sqrt(1.0 - alphas_cum_prod)
    return sqrt_alphas_cum_prod.astype(jnp.float32), sqrt_minus_one_alphas_cum_prod.astype(jnp.float32)


def setup_inputs(seed: int = 0) -> dict:
    key = jax.random.key(seed)
    k1, k2 = jax.random.split(key)
    b, c, w, h = 32, 3, 224, 224
    nb_steps = 4
    x_0 = jax.random.normal(k1, (b, c, w, h), dtype=jnp.float32)
    t = jax.random.randint(k2, (b, nb_steps), 0, STEPS, dtype=jnp.int32)
    sacp, smacp = _make_buffers()
    return {"x_0": x_0, "t": t, "sqrt_alphas_cum_prod": sacp, "sqrt_minus_one_alphas_cum_prod": smacp}


def reference(x_0, t, sqrt_alphas_cum_prod, sqrt_minus_one_alphas_cum_prod):
    b, c, w, h = x_0.shape
    nb_steps = t.shape[1]
    eps = jax.random.normal(jax.random.key(1234), (b, nb_steps, c, w, h), dtype=jnp.float32)
    tf = t.reshape(-1)
    sa = jnp.take(sqrt_alphas_cum_prod, tf, axis=0)[:, None, None, None]
    sa = sa.reshape(b, nb_steps, 1, 1, 1)
    sm = jnp.take(sqrt_minus_one_alphas_cum_prod, tf, axis=0)[:, None, None, None]
    sm = sm.reshape(b, nb_steps, 1, 1, 1)
    x_t = sa * x_0[:, None, :, :, :] + eps * sm
    return (x_t, eps)

if __name__ == "__main__":
    import jax
    _d = setup_inputs()
    print(jax.jit(kernel)(*tuple(_d.values())))

</pallas_src>

<mosaic_0001>
#map = affine_map<(d0, d1) -> (0, 0)>
#map1 = affine_map<(d0, d1) -> (0)>
module attributes {stable_mosaic.version = 14 : i64} {
  func.func @k(%arg0: i32, %arg1: i32, %arg2: memref<1000x128xf32, #tpu.memory_space<hbm>>, %arg3: memref<128xi32, #tpu.memory_space<hbm>>, %arg4: memref<128x128xf32, #tpu.memory_space<hbm>>, %arg5: memref<128xi32, #tpu.memory_space<vmem>>, %arg6: memref<128x128xf32, #tpu.memory_space<vmem>>, %arg7: memref<!tpu.dma_semaphore, #tpu.memory_space<semaphore_mem>>) attributes {dimension_semantics = [#tpu.dimension_semantics<core_parallel>, #tpu.dimension_semantics<subcore_parallel>], iteration_bounds = array<i64: 2, 16>, scalar_prefetch = 0 : i64, scratch_operands = 3 : i64, tpu.core_type = #tpu.core_type<sc_vector_subcore>, window_params = [{transform_indices = #map}, {transform_indices = #map1}, {transform_indices = #map}]} {
    %mul3A = arith.constant 2 : i32
    %mul3A_0 = arith.muli %arg1, %mul3A : i32
    %add3A = arith.addi %mul3A_0, %arg0 : i32
    %eq3A = arith.constant 0 : i32
    %eq3A_1 = arith.cmpi eq, %add3A, %eq3A : i32
    %convert_element_type3A = arith.extui %eq3A_1 : i1 to i32
    %cond3A = arith.constant 0 : i32
    %cond3A_2 = arith.cmpi ne, %convert_element_type3A, %cond3A : i32
    scf.if %cond3A_2 {
      "tpu.region"() ({
        %run_scoped3A = tpu.sem_alloc : memref<!tpu.dma_semaphore, #tpu.memory_space<semaphore_mem>>
        tpu.enqueue_dma source(%arg3 : memref<128xi32, #tpu.memory_space<hbm>>) target(%arg5 : memref<128xi32, #tpu.memory_space<vmem>>) target_semaphore(%run_scoped3A : memref<!tpu.dma_semaphore, #tpu.memory_space<semaphore_mem>>)
        tpu.wait_dma2 semaphore(%run_scoped3A : memref<!tpu.dma_semaphore, #tpu.memory_space<semaphore_mem>>) src(%arg3 : memref<128xi32, #tpu.memory_space<hbm>>) dst(%arg5 : memref<128xi32, #tpu.memory_space<vmem>>)
        tpu.yield
      }) : () -> ()
      %dma_start3A = arith.constant 0 : i32
      %dma_start3A_3 = arith.constant 0 : i32
      %dma_start3A_4 = tpu.memref_slice %arg2[%dma_start3A, %dma_start3A_3] : memref<1000x128xf32, #tpu.memory_space<hbm>> -> memref<1000x128xf32, #tpu.memory_space<hbm>>
      tpu.enqueue_indirect_dma source(%dma_start3A_4 : memref<1000x128xf32, #tpu.memory_space<hbm>>) target(%arg6 : memref<128x128xf32, #tpu.memory_space<vmem>>) offsets(%arg5 : memref<128xi32, #tpu.memory_space<vmem>>) semaphore(%arg7 : memref<!tpu.dma_semaphore, #tpu.memory_space<semaphore_mem>>)
      %dma_wait3A = arith.constant 0 : i32
      %dma_wait3A_5 = arith.constant 0 : i32
      %dma_wait3A_6 = tpu.memref_slice %arg2[%dma_wait3A, %dma_wait3A_5] : memref<1000x128xf32, #tpu.memory_space<hbm>> -> memref<1000x128xf32, #tpu.memory_space<hbm>>
      tpu.wait_indirect_dma semaphore(%arg7 : memref<!tpu.dma_semaphore, #tpu.memory_space<semaphore_mem>>) src(%dma_wait3A_6 : memref<1000x128xf32, #tpu.memory_space<hbm>>) dst(%arg6 : memref<128x128xf32, #tpu.memory_space<vmem>>)
      "tpu.region"() ({
        %run_scoped3A = tpu.sem_alloc : memref<!tpu.dma_semaphore, #tpu.memory_space<semaphore_mem>>
        tpu.enqueue_dma source(%arg6 : memref<128x128xf32, #tpu.memory_space<vmem>>) target(%arg4 : memref<128x128xf32, #tpu.memory_space<hbm>>) target_semaphore(%run_scoped3A : memref<!tpu.dma_semaphore, #tpu.memory_space<semaphore_mem>>)
        tpu.wait_dma2 semaphore(%run_scoped3A : memref<!tpu.dma_semaphore, #tpu.memory_space<semaphore_mem>>) src(%arg6 : memref<128x128xf32, #tpu.memory_space<vmem>>) dst(%arg4 : memref<128x128xf32, #tpu.memory_space<hbm>>)
        tpu.yield
      }) : () -> ()
    } else {
    }
    return
  }
}

module attributes {stable_mosaic.version = 14 : i64} {
  func.func @_noiser_kernel(%arg0: i32, %arg1: memref<32x4xf32, #tpu.memory_space<smem>>, %arg2: memref<32x4xf32, #tpu.memory_space<smem>>, %arg3: memref<1x3x224x224xf32, #tpu.memory_space<vmem>>, %arg4: memref<1x4x3x224x224xf32, #tpu.memory_space<vmem>>, %arg5: memref<1x4x3x224x224xf32, #tpu.memory_space<vmem>>) attributes {dimension_semantics = [#tpu.dimension_semantics<arbitrary>], iteration_bounds = array<i64: 32>, scalar_prefetch = 0 : i64, scratch_operands = 0 : i64, tpu.core_type = #tpu.core_type<tc>, window_params = [{transform_indices = @transform_0, window_bounds = array<i64: 32, 4>}, {transform_indices = @transform_1, window_bounds = array<i64: 32, 4>}, {transform_indices = @transform_2, window_bounds = array<i64: 1, 3, 224, 224>}, {transform_indices = @transform_3, window_bounds = array<i64: 1, 4, 3, 224, 224>}, {transform_indices = @transform_4, window_bounds = array<i64: 1, 4, 3, 224, 224>}]} {
    %get3A = arith.constant 0 : index
    %get3A_0 = arith.constant 0 : index
    %get3A_1 = arith.constant 0 : index
    %get3A_2 = arith.constant 0 : index
    %get3A_3 = vector.load %arg3[%get3A, %get3A_0, %get3A_1, %get3A_2] : memref<1x3x224x224xf32, #tpu.memory_space<vmem>>, vector<1x3x224x224xf32>
    %get3A_4 = vector.shape_cast %get3A_3 : vector<1x3x224x224xf32> to vector<3x224x224xf32>
    %iota3A = tpu.iota {dimensions = array<i32: 0>} : vector<3x224x224xi32>
    %mul3A = arith.constant 50176 : i32
    %mul3A_5 = vector.broadcast %mul3A : i32 to vector<3x224x224xi32>
    %mul3A_6 = arith.muli %iota3A, %mul3A_5 : vector<3x224x224xi32>
    %iota3A_7 = tpu.iota {dimensions = array<i32: 1>} : vector<3x224x224xi32>
    %mul3A_8 = arith.constant 224 : i32
    %mul3A_9 = vector.broadcast %mul3A_8 : i32 to vector<3x224x224xi32>
    %mul3A_10 = arith.muli %iota3A_7, %mul3A_9 : vector<3x224x224xi32>
    %add3A = arith.addi %mul3A_6, %mul3A_10 : vector<3x224x224xi32>
    %iota3A_11 = tpu.iota {dimensions = array<i32: 2>} : vector<3x224x224xi32>
    %add3A_12 = arith.addi %add3A, %iota3A_11 : vector<3x224x224xi32>
    %mul3A_13 = arith.constant 4 : i32
    %mul3A_14 = arith.muli %arg0, %mul3A_13 : i32
    %add3A_15 = arith.constant 0 : i32
    %add3A_16 = arith.addi %mul3A_14, %add3A_15 : i32
    %mul3A_17 = arith.constant 150528 : i32
    %mul3A_18 = arith.muli %add3A_16, %mul3A_17 : i32
    %add3A_19 = arith.constant 1234 : i32
    %add3A_20 = arith.addi %mul3A_18, %add3A_19 : i32
    %add3A_21 = vector.broadcast %add3A_20 : i32 to vector<3x224x224xi32>
    %add3A_22 = arith.addi %add3A_21, %add3A_12 : vector<3x224x224xi32>
    %shift_left3A = arith.constant 13 : i32
    %shift_left3A_23 = vector.broadcast %shift_left3A : i32 to vector<3x224x224xi32>
    %shift_left3A_24 = arith.shli %add3A_22, %shift_left3A_23 : vector<3x224x224xi32>
    %shift_right_logical3A = arith.constant 19 : i32
    %shift_right_logical3A_25 = vector.broadcast %shift_right_logical3A : i32 to vector<3x224x224xi32>
    %shift_right_logical3A_26 = arith.shrui %add3A_22, %shift_right_logical3A_25 : vector<3x224x224xi32>
    %or3A = arith.ori %shift_left3A_24, %shift_right_logical3A_26 : vector<3x224x224xi32>
    %xor3A = arith.xori %or3A, %add3A_22 : vector<3x224x224xi32>
    %add3A_27 = arith.addi %add3A_22, %xor3A : vector<3x224x224xi32>
    %shift_left3A_28 = arith.constant 15 : i32
    %shift_left3A_29 = vector.broadcast %shift_left3A_28 : i32 to vector<3x224x224xi32>
    %shift_left3A_30 = arith.shli %xor3A, %shift_left3A_29 : vector<3x224x224xi32>
    %shift_right_logical3A_31 = arith.constant 17 : i32
    %shift_right_logical3A_32 = vector.broadcast %shift_right_logical3A_31 : i32 to vector<3x224x224xi32>
    %shift_right_logical3A_33 = arith.shrui %xor3A, %shift_right_logical3A_32 : vector<3x224x224xi32>
    %or3A_34 = arith.ori %shift_left3A_30, %shift_right_logical3A_33 : vector<3x224x224xi32>
    %xor3A_35 = arith.xori %or3A_34, %add3A_27 : vector<3x224x224xi32>
    %add3A_36 = arith.addi %add3A_27, %xor3A_35 : vector<3x224x224xi32>
    %shift_left3A_37 = arith.constant 26 : i32
    %shift_left3A_38 = vector.broadcast %shift_left3A_37 : i32 to vector<3x224x224xi32>
    %shift_left3A_39 = arith.shli %xor3A_35, %shift_left3A_38 : vector<3x224x224xi32>
    %shift_right_logical3A_40 = arith.constant 6 : i32
    %shift_right_logical3A_41 = vector.broadcast %shift_right_logical3A_40 : i32 to vector<3x224x224xi32>
    %shift_right_logical3A_42 = arith.shrui %xor3A_35, %shift_right_logical3A_41 : vector<3x224x224xi32>
    %or3A_43 = arith.ori %shift_left3A_39, %shift_right_logical3A_42 : vector<3x224x224xi32>
    %xor3A_44 = arith.xori %or3A_43, %add3A_36 : vector<3x224x224xi32>
    %add3A_45 = arith.addi %add3A_36, %xor3A_44 : vector<3x224x224xi32>
    %shift_left3A_46 = arith.constant 6 : i32
    %shift_left3A_47 = vector.broadcast %shift_left3A_46 : i32 to vector<3x224x224xi32>
    %shift_left3A_48 = arith.shli %xor3A_44, %shift_left3A_47 : vector<3x224x224xi32>
    %shift_right_logical3A_49 = arith.constant 26 : i32
    %shift_right_logical3A_50 = vector.broadcast %shift_right_logical3A_49 : i32 to vector<3x224x224xi32>
    %shift_right_logical3A_51 = arith.shrui %xor3A_44, %shift_right_logical3A_50 : vector<3x224x224xi32>
    %or3A_52 = arith.ori %shift_left3A_48, %shift_right_logical3A_51 : vector<3x224x224xi32>
    %xor3A_53 = arith.xori %or3A_52, %add3A_45 : vector<3x224x224xi32>
    %add3A_54 = arith.constant 1234 : i32
    %add3A_55 = vector.broadcast %add3A_54 : i32 to vector<3x224x224xi32>
    %add3A_56 = arith.addi %add3A_45, %add3A_55 : vector<3x224x224xi32>
    %add3A_57 = arith.constant 466689801 : i32
    %add3A_58 = vector.broadcast %add3A_57 : i32 to vector<3x224x224xi32>
    %add3A_59 = arith.addi %xor3A_53, %add3A_58 : vector<3x224x224xi32>
    %add3A_60 = arith.addi %add3A_56, %add3A_59 : vector<3x224x224xi32>
    %shift_left3A_61 = arith.constant 17 : i32
    %shift_left3A_62 = vector.broadcast %shift_left3A_61 : i32 to vector<3x224x224xi32>
    %shift_left3A_63 = arith.shli %add3A_59, %shift_left3A_62 : vector<3x224x224xi32>
    %shift_right_logical3A_64 = arith.constant 15 : i32
    %shift_right_logical3A_65 = vector.broadcast %shift_right_logical3A_64 : i32 to vector<3x224x224xi32>
    %shift_right_logical3A_66 = arith.shrui %add3A_59, %shift_right_logical3A_65 : vector<3x224x224xi32>
    %or3A_67 = arith.ori %shift_left3A_63, %shift_right_logical3A_66 : vector<3x224x224xi32>
    %xor3A_68 = arith.xori %or3A_67, %add3A_60 : vector<3x224x224xi32>
    %add3A_69 = arith.addi %add3A_60, %xor3A_68 : vector<3x224x224xi32>
    %shift_left3A_70 = arith.constant 29 : i32
    %shift_left3A_71 = vector.broadcast %shift_left3A_70 : i32 to vector<3x224x224xi32>
    %shift_left3A_72 = arith.shli %xor3A_68, %shift_left3A_71 : vector<3x224x224xi32>
    %shift_right_logical3A_73 = arith.constant 3 : i32
    %shift_right_logical3A_74 = vector.broadcast %shift_right_logical3A_73 : i32 to vector<3x224x224xi32>
    %shift_right_logical3A_75 = arith.shrui %xor3A_68, %shift_right_logical3A_74 : vector<3x224x224xi32>
    %or3A_76 = arith.ori %shift_left3A_72, %shift_right_logical3A_75 : vector<3x224x224xi32>
    %xor3A_77 = arith.xori %or3A_76, %add3A_69 : vector<3x224x224xi32>
    %add3A_78 = arith.addi %add3A_69, %xor3A_77 : vector<3x224x224xi32>
    %shift_left3A_79 = arith.constant 16 : i32
    %shift_left3A_80 = vector.broadcast %shift_left3A_79 : i32 to vector<3x224x224xi32>
    %shift_left3A_81 = arith.shli %xor3A_77, %shift_left3A_80 : vector<3x224x224xi32>
    %shift_right_logical3A_82 = arith.constant 16 : i32
    %shift_right_logical3A_83 = vector.broadcast %shift_right_logical3A_82 : i32 to vector<3x224x224xi32>
    %shift_right_logical3A_84 = arith.shrui %xor3A_77, %shift_right_logical3A_83 : vector<3x224x224xi32>
    %or3A_85 = arith.ori %shift_left3A_81, %shift_right_logical3A_84 : vector<3x224x224xi32>
    %xor3A_86 = arith.xori %or3A_85, %add3A_78 : vector<3x224x224xi32>
    %add3A_87 = arith.addi %add3A_78, %xor3A_86 : vector<3x224x224xi32>
    %shift_left3A_88 = arith.constant 24 : i32
    %shift_left3A_89 = vector.broadcast %shift_left3A_88 : i32 to vector<3x224x224xi32>
    %shift_left3A_90 = arith.shli %xor3A_86, %shift_left3A_89 : vector<3x224x224xi32>
    %shift_right_logical3A_91 = arith.constant 8 : i32
    %shift_right_logical3A_92 = vector.broadcast %shift_right_logical3A_91 : i32 to vector<3x224x224xi32>
    %shift_right_logical3A_93 = arith.shrui %xor3A_86, %shift_right_logical3A_92 : vector<3x224x224xi32>
    %or3A_94 = arith.ori %shift_left3A_90, %shift_right_logical3A_93 : vector<3x224x224xi32>
    %xor3A_95 = arith.xori %or3A_94, %add3A_87 : vector<3x224x224xi32>
    %add3A_96 = arith.constant 466689800 : i32
    %add3A_97 = vector.broadcast %add3A_96 : i32 to vector<3x224x224xi32>
    %add3A_98 = arith.addi %add3A_87, %add3A_97 : vector<3x224x224xi32>
    %add3A_99 = arith.constant 2 : i32
    %add3A_100 = vector.broadcast %add3A_99 : i32 to vector<3x224x224xi32>
    %add3A_101 = arith.addi %xor3A_95, %add3A_100 : vector<3x224x224xi32>
    %add3A_102 = arith.addi %add3A_98, %add3A_101 : vector<3x224x224xi32>
    %shift_left3A_103 = arith.constant 13 : i32
    %shift_left3A_104 = vector.broadcast %shift_left3A_103 : i32 to vector<3x224x224xi32>
    %shift_left3A_105 = arith.shli %add3A_101, %shift_left3A_104 : vector<3x224x224xi32>
    %shift_right_logical3A_106 = arith.constant 19 : i32
    %shift_right_logical3A_107 = vector.broadcast %shift_right_logical3A_106 : i32 to vector<3x224x224xi32>
    %shift_right_logical3A_108 = arith.shrui %add3A_101, %shift_right_logical3A_107 : vector<3x224x224xi32>
    %or3A_109 = arith.ori %shift_left3A_105, %shift_right_logical3A_108 : vector<3x224x224xi32>
    %xor3A_110 = arith.xori %or3A_109, %add3A_102 : vector<3x224x224xi32>
    %add3A_111 = arith.addi %add3A_102, %xor3A_110 : vector<3x224x224xi32>
    %shift_left3A_112 = arith.constant 15 : i32
    %shift_left3A_113 = vector.broadcast %shift_left3A_112 : i32 to vector<3x224x224xi32>
    %shift_left3A_114 = arith.shli %xor3A_110, %shift_left3A_113 : vector<3x224x224xi32>
    %shift_right_logical3A_115 = arith.constant 17 : i32
    %shift_right_logical3A_116 = vector.broadcast %shift_right_logical3A_115 : i32 to vector<3x224x224xi32>
    %shift_right_logical3A_117 = arith.shrui %xor3A_110, %shift_right_logical3A_116 : vector<3x224x224xi32>
    %or3A_118 = arith.ori %shift_left3A_114, %shift_right_logical3A_117 : vector<3x224x224xi32>
    %xor3A_119 = arith.xori %or3A_118, %add3A_111 : vector<3x224x224xi32>
    %add3A_120 = arith.addi %add3A_111, %xor3A_119 : vector<3x224x224xi32>
    %shift_left3A_121 = arith.constant 26 : i32
    %shift_left3A_122 = vector.broadcast %shift_left3A_121 : i32 to vector<3x224x224xi32>
    %shift_left3A_123 = arith.shli %xor3A_119, %shift_left3A_122 : vector<3x224x224xi32>
    %shift_right_logical3A_124 = arith.constant 6 : i32
    %shift_right_logical3A_125 = vector.broadcast %shift_right_logical3A_124 : i32 to vector<3x224x224xi32>
    %shift_right_logical3A_126 = arith.shrui %xor3A_119, %shift_right_logical3A_125 : vector<3x224x224xi32>
    %or3A_127 = arith.ori %shift_left3A_123, %shift_right_logical3A_126 : vector<3x224x224xi32>
    %xor3A_128 = arith.xori %or3A_127, %add3A_120 : vector<3x224x224xi32>
    %add3A_129 = arith.addi %add3A_120, %xor3A_128 : vector<3x224x224xi32>
    %shift_left3A_130 = arith.constant 6 : i32
    %shift_left3A_131 = vector.broadcast %shift_left3A_130 : i32 to vector<3x224x224xi32>
    %shift_left3A_132 = arith.shli %xor3A_128, %shift_left3A_131 : vector<3x224x224xi32>
    %shift_right_logical3A_133 = arith.constant 26 : i32
    %shift_right_logical3A_134 = vector.broadcast %shift_right_logical3A_133 : i32 to vector<3x224x224xi32>
    %shift_right_logical3A_135 = arith.shrui %xor3A_128, %shift_right_logical3A_134 : vector<3x224x224xi32>
    %or3A_136 = arith.ori %shift_left3A_132, %shift_right_logical3A_135 : vector<3x224x224xi32>
    %xor3A_137 = arith.xori %or3A_136, %add3A_129 : vector<3x224x224xi32>
    %add3A_138 = arith.constant 0 : i32
    %add3A_139 = vector.broadcast %add3A_138 : i32 to vector<3x224x224xi32>
    %add3A_140 = arith.addi %add3A_129, %add3A_139 : vector<3x224x224xi32>
    %add3A_141 = arith.constant 1237 : i32
    %add3A_142 = vector.broadcast %add3A_141 : i32 to vector<3x224x224xi32>
    %add3A_143 = arith.addi %xor3A_137, %add3A_142 : vector<3x224x224xi32>
    %add3A_144 = arith.addi %add3A_140, %add3A_143 : vector<3x224x224xi32>
    %shift_left3A_145 = arith.constant 17 : i32
    %shift_left3A_146 = vector.broadcast %shift_left3A_145 : i32 to vector<3x224x224xi32>
    %shift_left3A_147 = arith.shli %add3A_143, %shift_left3A_146 : vector<3x224x224xi32>
    %shift_right_logical3A_148 = arith.constant 15 : i32
    %shift_right_logical3A_149 = vector.broadcast %shift_right_logical3A_148 : i32 to vector<3x224x224xi32>
    %shift_right_logical3A_150 = arith.shrui %add3A_143, %shift_right_logical3A_149 : vector<3x224x224xi32>
    %or3A_151 = arith.ori %shift_left3A_147, %shift_right_logical3A_150 : vector<3x224x224xi32>
    %xor3A_152 = arith.xori %or3A_151, %add3A_144 : vector<3x224x224xi32>
    %add3A_153 = arith.addi %add3A_144, %xor3A_152 : vector<3x224x224xi32>
    %shift_left3A_154 = arith.constant 29 : i32
    %shift_left3A_155 = vector.broadcast %shift_left3A_154 : i32 to vector<3x224x224xi32>
    %shift_left3A_156 = arith.shli %xor3A_152, %shift_left3A_155 : vector<3x224x224xi32>
    %shift_right_logical3A_157 = arith.constant 3 : i32
    %shift_right_logical3A_158 = vector.broadcast %shift_right_logical3A_157 : i32 to vector<3x224x224xi32>
    %shift_right_logical3A_159 = arith.shrui %xor3A_152, %shift_right_logical3A_158 : vector<3x224x224xi32>
    %or3A_160 = arith.ori %shift_left3A_156, %shift_right_logical3A_159 : vector<3x224x224xi32>
    %xor3A_161 = arith.xori %or3A_160, %add3A_153 : vector<3x224x224xi32>
    %add3A_162 = arith.addi %add3A_153, %xor3A_161 : vector<3x224x224xi32>
    %shift_left3A_163 = arith.constant 16 : i32
    %shift_left3A_164 = vector.broadcast %shift_left3A_163 : i32 to vector<3x224x224xi32>
    %shift_left3A_165 = arith.shli %xor3A_161, %shift_left3A_164 : vector<3x224x224xi32>
    %shift_right_logical3A_166 = arith.constant 16 : i32
    %shift_right_logical3A_167 = vector.broadcast %shift_right_logical3A_166 : i32 to vector<3x224x224xi32>
    %shift_right_logical3A_168 = arith.shrui %xor3A_161, %shift_right_logical3A_167 : vector<3x224x224xi32>
    %or3A_169 = arith.ori %shift_left3A_165, %shift_right_logical3A_168 : vector<3x224x224xi32>
    %xor3A_170 = arith.xori %or3A_169, %add3A_162 : vector<3x224x224xi32>
    %add3A_171 = arith.addi %add3A_162, %xor3A_170 : vector<3x224x224xi32>
    %shift_left3A_172 = arith.constant 24 : i32
    %shift_left3A_173 = vector.broadcast %shift_left3A_172 : i32 to vector<3x224x224xi32>
    %shift_left3A_174 = arith.shli %xor3A_170, %shift_left3A_173 : vector<3x224x224xi32>
    %shift_right_logical3A_175 = arith.constant 8 : i32
    %shift_right_logical3A_176 = vector.broadcast %shift_right_logical3A_175 : i32 to vector<3x224x224xi32>
    %shift_right_logical3A_177 = arith.shrui %xor3A_170, %shift_right_logical3A_176 : vector<3x224x224xi32>
    %or3A_178 = arith.ori %shift_left3A_174, %shift_right_logical3A_177 : vector<3x224x224xi32>
    %xor3A_179 = arith.xori %or3A_178, %add3A_171 : vector<3x224x224xi32>
    %add3A_180 = arith.constant 1234 : i32
    %add3A_181 = vector.broadcast %add3A_180 : i32 to vector<3x224x224xi32>
    %add3A_182 = arith.addi %add3A_171, %add3A_181 : vector<3x224x224xi32>
    %add3A_183 = arith.constant 466689804 : i32
    %add3A_184 = vector.broadcast %add3A_183 : i32 to vector<3x224x224xi32>
    %add3A_185 = arith.addi %xor3A_179, %add3A_184 : vector<3x224x224xi32>
    %add3A_186 = arith.addi %add3A_182, %add3A_185 : vector<3x224x224xi32>
    %shift_left3A_187 = arith.constant 13 : i32
    %shift_left3A_188 = vector.broadcast %shift_left3A_187 : i32 to vector<3x224x224xi32>
    %shift_left3A_189 = arith.shli %add3A_185, %shift_left3A_188 : vector<3x224x224xi32>
    %shift_right_logical3A_190 = arith.constant 19 : i32
    %shift_right_logical3A_191 = vector.broadcast %shift_right_logical3A_190 : i32 to vector<3x224x224xi32>
    %shift_right_logical3A_192 = arith.shrui %add3A_185, %shift_right_logical3A_191 : vector<3x224x224xi32>
    %or3A_193 = arith.ori %shift_left3A_189, %shift_right_logical3A_192 : vector<3x224x224xi32>
    %xor3A_194 = arith.xori %or3A_193, %add3A_186 : vector<3x224x224xi32>
    %add3A_195 = arith.addi %add3A_186, %xor3A_194 : vector<3x224x224xi32>
    %shift_left3A_196 = arith.constant 15 : i32
    %shift_left3A_197 = vector.broadcast %shift_left3A_196 : i32 to vector<3x224x224xi32>
    %shift_left3A_198 = arith.shli %xor3A_194, %shift_left3A_197 : vector<3x224x224xi32>
    %shift_right_logical3A_199 = arith.constant 17 : i32
    %shift_right_logical3A_200 = vector.broadcast %shift_right_logical3A_199 : i32 to vector<3x224x224xi32>
    %shift_right_logical3A_201 = arith.shrui %xor3A_194, %shift_right_logical3A_200 : vector<3x224x224xi32>
    %or3A_202 = arith.ori %shift_left3A_198, %shift_right_logical3A_201 : vector<3x224x224xi32>
    %xor3A_203 = arith.xori %or3A_202, %add3A_195 : vector<3x224x224xi32>
    %add3A_204 = arith.addi %add3A_195, %xor3A_203 : vector<3x224x224xi32>
    %shift_left3A_205 = arith.constant 26 : i32
    %shift_left3A_206 = vector.broadcast %shift_left3A_205 : i32 to vector<3x224x224xi32>
    %shift_left3A_207 = arith.shli %xor3A_203, %shift_left3A_206 : vector<3x224x224xi32>
    %shift_right_logical3A_208 = arith.constant 6 : i32
    %shift_right_logical3A_209 = vector.broadcast %shift_right_logical3A_208 : i32 to vector<3x224x224xi32>
    %shift_right_logical3A_210 = arith.shrui %xor3A_203, %shift_right_logical3A_209 : vector<3x224x224xi32>
    %or3A_211 = arith.ori %shift_left3A_207, %shift_right_logical3A_210 : vector<3x224x224xi32>
    %xor3A_212 = arith.xori %or3A_211, %add3A_204 : vector<3x224x224xi32>
    %add3A_213 = arith.addi %add3A_204, %xor3A_212 : vector<3x224x224xi32>
    %shift_left3A_214 = arith.constant 6 : i32
    %shift_left3A_215 = vector.broadcast %shift_left3A_214 : i32 to vector<3x224x224xi32>
    %shift_left3A_216 = arith.shli %xor3A_212, %shift_left3A_215 : vector<3x224x224xi32>
    %shift_right_logical3A_217 = arith.constant 26 : i32
    %shift_right_logical3A_218 = vector.broadcast %shift_right_logical3A_217 : i32 to vector<3x224x224xi32>
    %shift_right_logical3A_219 = arith.shrui %xor3A_212, %shift_right_logical3A_218 : vector<3x224x224xi32>
    %or3A_220 = arith.ori %shift_left3A_216, %shift_right_logical3A_219 : vector<3x224x224xi32>
    %xor3A_221 = arith.xori %or3A_220, %add3A_213 : vector<3x224x224xi32>
    %add3A_222 = arith.constant 466689800 : i32
    %add3A_223 = vector.broadcast %add3A_222 : i32 to vector<3x224x224xi32>
    %add3A_224 = arith.addi %add3A_213, %add3A_223 : vector<3x224x224xi32>
    %add3A_225 = arith.constant 5 : i32
    %add3A_226 = vector.broadcast %add3A_225 : i32 to vector<3x224x224xi32>
    %add3A_227 = arith.addi %xor3A_221, %add3A_226 : vector<3x224x224xi32>
    %xor3A_228 = arith.xori %add3A_224, %add3A_227 : vector<3x224x224xi32>
    %shift_right_logical3A_229 = arith.constant 9 : i32
    %shift_right_logical3A_230 = vector.broadcast %shift_right_logical3A_229 : i32 to vector<3x224x224xi32>
    %shift_right_logical3A_231 = arith.shrui %xor3A_228, %shift_right_logical3A_230 : vector<3x224x224xi32>
    %or3A_232 = arith.constant 1073741824 : i32
    %or3A_233 = vector.broadcast %or3A_232 : i32 to vector<3x224x224xi32>
    %or3A_234 = arith.ori %shift_right_logical3A_231, %or3A_233 : vector<3x224x224xi32>
    %bitcast_convert_type3A = tpu.bitcast %or3A_234 : vector<3x224x224xi32> -> vector<3x224x224xf32>
    %sub3A = arith.constant 3.000000e+00 : f32
    %sub3A_235 = vector.broadcast %sub3A : f32 to vector<3x224x224xf32>
    %sub3A_236 = arith.subf %bitcast_convert_type3A, %sub3A_235 : vector<3x224x224xf32>
    %max3A = arith.constant -0.99999994 : f32
    %max3A_237 = vector.broadcast %max3A : f32 to vector<3x224x224xf32>
    %max3A_238 = arith.maximumf %max3A_237, %sub3A_236 : vector<3x224x224xf32>
    %mul3A_239 = arith.mulf %max3A_238, %max3A_238 : vector<3x224x224xf32>
    %sub3A_240 = arith.constant 1.000000e+00 : f32
    %sub3A_241 = vector.broadcast %sub3A_240 : f32 to vector<3x224x224xf32>
    %sub3A_242 = arith.subf %sub3A_241, %mul3A_239 : vector<3x224x224xf32>
    %log3A = math.log %sub3A_242 : vector<3x224x224xf32>
    %log3A_243 = arith.constant 2.000000e+00 : f32
    %log3A_244 = math.log %log3A_243 : f32
    %div3A = vector.broadcast %log3A_244 : f32 to vector<3x224x224xf32>
    %div3A_245 = arith.divf %log3A, %div3A : vector<3x224x224xf32>
    %neg3A = arith.constant 0.000000e+00 : f32
    %neg3A_246 = vector.broadcast %neg3A : f32 to vector<3x224x224xf32>
    %neg3A_247 = arith.subf %neg3A_246, %div3A_245 : vector<3x224x224xf32>
    %sqrt3A = math.sqrt %neg3A_247 : vector<3x224x224xf32>
    %broadcast_in_dim3A = arith.constant 7.95371597E-5 : f32
    %broadcast_in_dim3A_248 = vector.broadcast %broadcast_in_dim3A : f32 to vector<3x224x224xf32>
    %mul3A_249 = arith.mulf %broadcast_in_dim3A_248, %sqrt3A : vector<3x224x224xf32>
    %add3A_250 = arith.constant -0.00179744256 : f32
    %add3A_251 = vector.broadcast %add3A_250 : f32 to vector<3x224x224xf32>
    %add3A_252 = arith.addf %mul3A_249, %add3A_251 : vector<3x224x224xf32>
    %mul3A_253 = arith.mulf %add3A_252, %sqrt3A : vector<3x224x224xf32>
    %add3A_254 = arith.constant 0.01615954 : f32
    %add3A_255 = vector.broadcast %add3A_254 : f32 to vector<3x224x224xf32>
    %add3A_256 = arith.addf %mul3A_253, %add3A_255 : vector<3x224x224xf32>
    %mul3A_257 = arith.mulf %add3A_256, %sqrt3A : vector<3x224x224xf32>
    %add3A_258 = arith.constant -0.0718614161 : f32
    %add3A_259 = vector.broadcast %add3A_258 : f32 to vector<3x224x224xf32>
    %add3A_260 = arith.addf %mul3A_257, %add3A_259 : vector<3x224x224xf32>
    %mul3A_261 = arith.mulf %add3A_260, %sqrt3A : vector<3x224x224xf32>
    %add3A_262 = arith.constant 0.157402381 : f32
    %add3A_263 = vector.broadcast %add3A_262 : f32 to vector<3x224x224xf32>
    %add3A_264 = arith.addf %mul3A_261, %add3A_263 : vector<3x224x224xf32>
    %mul3A_265 = arith.mulf %add3A_264, %sqrt3A : vector<3x224x224xf32>
    %add3A_266 = arith.constant -0.162489876 : f32
    %add3A_267 = vector.broadcast %add3A_266 : f32 to vector<3x224x224xf32>
    %add3A_268 = arith.addf %mul3A_265, %add3A_267 : vector<3x224x224xf32>
    %mul3A_269 = arith.mulf %add3A_268, %sqrt3A : vector<3x224x224xf32>
    %add3A_270 = arith.constant 0.314724475 : f32
    %add3A_271 = vector.broadcast %add3A_270 : f32 to vector<3x224x224xf32>
    %add3A_272 = arith.addf %mul3A_269, %add3A_271 : vector<3x224x224xf32>
    %mul3A_273 = arith.mulf %add3A_272, %sqrt3A : vector<3x224x224xf32>
    %add3A_274 = arith.constant -0.0192525517 : f32
    %add3A_275 = vector.broadcast %add3A_274 : f32 to vector<3x224x224xf32>
    %add3A_276 = arith.addf %mul3A_273, %add3A_275 : vector<3x224x224xf32>
    %mul3A_277 = arith.mulf %add3A_276, %sqrt3A : vector<3x224x224xf32>
    %add3A_278 = arith.constant 1.25433123 : f32
    %add3A_279 = vector.broadcast %add3A_278 : f32 to vector<3x224x224xf32>
    %add3A_280 = arith.addf %mul3A_277, %add3A_279 : vector<3x224x224xf32>
    %mul3A_281 = arith.mulf %add3A_280, %max3A_238 : vector<3x224x224xf32>
    %get3A_282 = arith.index_cast %arg0 : i32 to index
    %get3A_283 = arith.constant 0 : index
    %get3A_284 = memref.load %arg1[%get3A_282, %get3A_283] : memref<32x4xf32, #tpu.memory_space<smem>>
    %get3A_285 = arith.index_cast %arg0 : i32 to index
    %get3A_286 = arith.constant 0 : index
    %get3A_287 = memref.load %arg2[%get3A_285, %get3A_286] : memref<32x4xf32, #tpu.memory_space<smem>>
    %swap3A = arith.constant 0 : index
    %swap3A_288 = arith.constant 0 : index
    %swap3A_289 = arith.constant 0 : index
    %swap3A_290 = arith.constant 0 : index
    %swap3A_291 = arith.constant 0 : index
    %swap3A_292 = vector.load %arg5[%swap3A, %swap3A_288, %swap3A_289, %swap3A_290, %swap3A_291] : memref<1x4x3x224x224xf32, #tpu.memory_space<vmem>>, vector<1x1x3x224x224xf32>
    %swap3A_293 = vector.shape_cast %swap3A_292 : vector<1x1x3x224x224xf32> to vector<3x224x224xf32>
    %swap3A_294 = vector.shape_cast %mul3A_281 : vector<3x224x224xf32> to vector<1x1x3x224x224xf32>
    tpu.vector_store %arg5[%swap3A, %swap3A_288, %swap3A_289, %swap3A_290, %swap3A_291], %swap3A_294 {strides = array<i32>} : memref<1x4x3x224x224xf32, #tpu.memory_space<vmem>>, vector<1x1x3x224x224xf32>,
    %mul3A_295 = vector.broadcast %get3A_284 : f32 to vector<3x224x224xf32>
    %mul3A_296 = arith.mulf %mul3A_295, %get3A_4 : vector<3x224x224xf32>
    %mul3A_297 = vector.broadcast %get3A_287 : f32 to vector<3x224x224xf32>
    %mul3A_298 = arith.mulf %mul3A_281, %mul3A_297 : vector<3x224x224xf32>
    %add3A_299 = arith.addf %mul3A_296, %mul3A_298 : vector<3x224x224xf32>
    %swap3A_300 = arith.constant 0 : index
    %swap3A_301 = arith.constant 0 : index
    %swap3A_302 = arith.constant 0 : index
    %swap3A_303 = arith.constant 0 : index
    %swap3A_304 = arith.constant 0 : index
    %swap3A_305 = vector.load %arg4[%swap3A_300, %swap3A_301, %swap3A_302, %swap3A_303, %swap3A_304] : memref<1x4x3x224x224xf32, #tpu.memory_space<vmem>>, vector<1x1x3x224x224xf32>
    %swap3A_306 = vector.shape_cast %swap3A_305 : vector<1x1x3x224x224xf32> to vector<3x224x224xf32>
    %swap3A_307 = vector.shape_cast %add3A_299 : vector<3x224x224xf32> to vector<1x1x3x224x224xf32>
    tpu.vector_store %arg4[%swap3A_300, %swap3A_301, %swap3A_302, %swap3A_303, %swap3A_304], %swap3A_307 {strides = array<i32>} : memref<1x4x3x224x224xf32, #tpu.memory_space<vmem>>, vector<1x1x3x224x224xf32>,
    %mul3A_308 = arith.constant 4 : i32
    %mul3A_309 = arith.muli %arg0, %mul3A_308 : i32
    %add3A_310 = arith.constant 1 : i32
    %add3A_311 = arith.addi %mul3A_309, %add3A_310 : i32
    %mul3A_312 = arith.constant 150528 : i32
    %mul3A_313 = arith.muli %add3A_311, %mul3A_312 : i32
    %add3A_314 = arith.constant 1234 : i32
    %add3A_315 = arith.addi %mul3A_313, %add3A_314 : i32
    %add3A_316 = vector.broadcast %add3A_315 : i32 to vector<3x224x224xi32>
    %add3A_317 = arith.addi %add3A_316, %add3A_12 : vector<3x224x224xi32>
    %shift_left3A_318 = arith.constant 13 : i32
    %shift_left3A_319 = vector.broadcast %shift_left3A_318 : i32 to vector<3x224x224xi32>
    %shift_left3A_320 = arith.shli %add3A_317, %shift_left3A_319 : vector<3x224x224xi32>
    %shift_right_logical3A_321 = arith.constant 19 : i32
    %shift_right_logical3A_322 = vector.broadcast %shift_right_logical3A_321 : i32 to vector<3x224x224xi32>
    %shift_right_logical3A_323 = arith.shrui %add3A_317, %shift_right_logical3A_322 : vector<3x224x224xi32>
    %or3A_324 = arith.ori %shift_left3A_320, %shift_right_logical3A_323 : vector<3x224x224xi32>
    %xor3A_325 = arith.xori %or3A_324, %add3A_317 : vector<3x224x224xi32>
    %add3A_326 = arith.addi %add3A_317, %xor3A_325 : vector<3x224x224xi32>
    %shift_left3A_327 = arith.constant 15 : i32
    %shift_left3A_328 = vector.broadcast %shift_left3A_327 : i32 to vector<3x224x224xi32>
    %shift_left3A_329 = arith.shli %xor3A_325, %shift_left3A_328 : vector<3x224x224xi32>
    %shift_right_logical3A_330 = arith.constant 17 : i32
    %shift_right_logical3A_331 = vector.broadcast %shift_right_logical3A_330 : i32 to vector<3x224x224xi32>
    %shift_right_logical3A_332 = arith.shrui %xor3A_325, %shift_right_logical3A_331 : vector<3x224x224xi32>
    %or3A_333 = arith.ori %shift_left3A_329, %shift_right_logical3A_332 : vector<3x224x224xi32>
    %xor3A_334 = arith.xori %or3A_333, %add3A_326 : vector<3x224x224xi32>
    %add3A_335 = arith.addi %add3A_326, %xor3A_334 : vector<3x224x224xi32>
    %shift_left3A_336 = arith.constant 26 : i32
    %shift_left3A_337 = vector.broadcast %shift_left3A_336 : i32 to vector<3x224x224xi32>
    %shift_left3A_338 = arith.shli %xor3A_334, %shift_left3A_337 : vector<3x224x224xi32>
    %shift_right_logical3A_339 = arith.constant 6 : i32
    %shift_right_logical3A_340 = vector.broadcast %shift_right_logical3A_339 : i32 to vector<3x224x224xi32>
    %shift_right_logical3A_341 = arith.shrui %xor3A_334, %shift_right_logical3A_340 : vector<3x224x224xi32>
    %or3A_342 = arith.ori %shift_left3A_338, %shift_right_logical3A_341 : vector<3x224x224xi32>
    %xor3A_343 = arith.xori %or3A_342, %add3A_335 : vector<3x224x224xi32>
    %add3A_344 = arith.addi %add3A_335, %xor3A_343 : vector<3x224x224xi32>
    %shift_left3A_345 = arith.constant 6 : i32
    %shift_left3A_346 = vector.broadcast %shift_left3A_345 : i32 to vector<3x224x224xi32>
    %shift_left3A_347 = arith.shli %xor3A_343, %shift_left3A_346 : vector<3x224x224xi32>
    %shift_right_logical3A_348 = arith.constant 26 : i32
    %shift_right_logical3A_349 = vector.broadcast %shift_right_logical3A_348 : i32 to vector<3x224x224xi32>
    %shift_right_logical3A_350 = arith.shrui %xor3A_343, %shift_right_logical3A_349 : vector<3x224x224xi32>
    %or3A_351 = arith.ori %shift_left3A_347, %shift_right_logical3A_350 : vector<3x224x224xi32>
    %xor3A_352 = arith.xori %or3A_351, %add3A_344 : vector<3x224x224xi32>
    %add3A_353 = arith.constant 1234 : i32
    %add3A_354 = vector.broadcast %add3A_353 : i32 to vector<3x224x224xi32>
    %add3A_355 = arith.addi %add3A_344, %add3A_354 : vector<3x224x224xi32>
    %add3A_356 = arith.constant 466689801 : i32
    %add3A_357 = vector.broadcast %add3A_356 : i32 to vector<3x224x224xi32>
    %add3A_358 = arith.addi %xor3A_352, %add3A_357 : vector<3x224x224xi32>
    %add3A_359 = arith.addi %add3A_355, %add3A_358 : vector<3x224x224xi32>
    %shift_left3A_360 = arith.constant 17 : i32
    %shift_left3A_361 = vector.broadcast %shift_left3A_360 : i32 to vector<3x224x224xi32>
    %shift_left3A_362 = arith.shli %add3A_358, %shift_left3A_361 : vector<3x224x224xi32>
    %shift_right_logical3A_363 = arith.constant 15 : i32
    %shift_right_logical3A_364 = vector.broadcast %shift_right_logical3A_363 : i32 to vector<3x224x224xi32>
    %shift_right_logical3A_365 = arith.shrui %add3A_358, %shift_right_logical3A_364 : vector<3x224x224xi32>
    %or3A_366 = arith.ori %shift_left3A_362, %shift_right_logical3A_365 : vector<3x224x224xi32>
    %xor3A_367 = arith.xori %or3A_366, %add3A_359 : vector<3x224x224xi32>
    %add3A_368 = arith.addi %add3A_359, %xor3A_367 : vector<3x224x224xi32>
    %shift_left3A_369 = arith.constant 29 : i32
    %shift_left3A_370 = vector.broadcast %shift_left3A_369 : i32 to vector<3x224x224xi32>
    %shift_left3A_371 = arith.shli %xor3A_367, %shift_left3A_370 : vector<3x224x224xi32>
    %shift_right_logical3A_372 = arith.constant 3 : i32
    %shift_right_logical3A_373 = vector.broadcast %shift_right_logical3A_372 : i32 to vector<3x224x224xi32>
    %shift_right_logical3A_374 = arith.shrui %xor3A_367, %shift_right_logical3A_373 : vector<3x224x224xi32>
    %or3A_375 = arith.ori %shift_left3A_371, %shift_right_logical3A_374 : vector<3x224x224xi32>
    %xor3A_376 = arith.xori %or3A_375, %add3A_368 : vector<3x224x224xi32>
    %add3A_377 = arith.addi %add3A_368, %xor3A_376 : vector<3x224x224xi32>
    %shift_left3A_378 = arith.constant 16 : i32
    %shift_left3A_379 = vector.broadcast %shift_left3A_378 : i32 to vector<3x224x224xi32>
    %shift_left3A_380 = arith.shli %xor3A_376, %shift_left3A_379 : vector<3x224x224xi32>
    %shift_right_logical3A_381 = arith.constant 16 : i32
    %shift_right_logical3A_382 = vector.broadcast %shift_right_logical3A_381 : i32 to vector<3x224x224xi32>
    %shift_right_logical3A_383 = arith.shrui %xor3A_376, %shift_right_logical3A_382 : vector<3x224x224xi32>
    %or3A_384 = arith.ori %shift_left3A_380, %shift_right_logical3A_383 : vector<3x224x224xi32>
    %xor3A_385 = arith.xori %or3A_384, %add3A_377 : vector<3x224x224xi32>
    %add3A_386 = arith.addi %add3A_377, %xor3A_385 : vector<3x224x224xi32>
    %shift_left3A_387 = arith.constant 24 : i32
    %shift_left3A_388 = vector.broadcast %shift_left3A_387 : i32 to vector<3x224x224xi32>
    %shift_left3A_389 = arith.shli %xor3A_385, %shift_left3A_388 : vector<3x224x224xi32>
    %shift_right_logical3A_390 = arith.constant 8 : i32
    %shift_right_logical3A_391 = vector.broadcast %shift_right_logical3A_390 : i32 to vector<3x224x224xi32>
    %shift_right_logical3A_392 = arith.shrui %xor3A_385, %shift_right_logical3A_391 : vector<3x224x224xi32>
    %or3A_393 = arith.ori %shift_left3A_389, %shift_right_logical3A_392 : vector<3x224x224xi32>
    %xor3A_394 = arith.xori %or3A_393, %add3A_386 : vector<3x224x224xi32>
    %add3A_395 = arith.constant 466689800 : i32
    %add3A_396 = vector.broadcast %add3A_395 : i32 to vector<3x224x224xi32>
    %add3A_397 = arith.addi %add3A_386, %add3A_396 : vector<3x224x224xi32>
    %add3A_398 = arith.constant 2 : i32
    %add3A_399 = vector.broadcast %add3A_398 : i32 to vector<3x224x224xi32>
    %add3A_400 = arith.addi %xor3A_394, %add3A_399 : vector<3x224x224xi32>
    %add3A_401 = arith.addi %add3A_397, %add3A_400 : vector<3x224x224xi32>
    %shift_left3A_402 = arith.constant 13 : i32
    %shift_left3A_403 = vector.broadcast %shift_left3A_402 : i32 to vector<3x224x224xi32>
    %shift_left3A_404 = arith.shli %add3A_400, %shift_left3A_403 : vector<3x224x224xi32>
    %shift_right_logical3A_405 = arith.constant 19 : i32
    %shift_right_logical3A_406 = vector.broadcast %shift_right_logical3A_405 : i32 to vector<3x224x224xi32>
    %shift_right_logical3A_407 = arith.shrui %add3A_400, %shift_right_logical3A_406 : vector<3x224x224xi32>
    %or3A_408 = arith.ori %shift_left3A_404, %shift_right_logical3A_407 : vector<3x224x224xi32>
    %xor3A_409 = arith.xori %or3A_408, %add3A_401 : vector<3x224x224xi32>
    %add3A_410 = arith.addi %add3A_401, %xor3A_409 : vector<3x224x224xi32>
    %shift_left3A_411 = arith.constant 15 : i32
    %shift_left3A_412 = vector.broadcast %shift_left3A_411 : i32 to vector<3x224x224xi32>
    %shift_left3A_413 = arith.shli %xor3A_409, %shift_left3A_412 : vector<3x224x224xi32>
    %shift_right_logical3A_414 = arith.constant 17 : i32
    %shift_right_logical3A_415 = vector.broadcast %shift_right_logical3A_414 : i32 to vector<3x224x224xi32>
    %shift_right_logical3A_416 = arith.shrui %xor3A_409, %shift_right_logical3A_415 : vector<3x224x224xi32>
    %or3A_417 = arith.ori %shift_left3A_413, %shift_right_logical3A_416 : vector<3x224x224xi32>
    %xor3A_418 = arith.xori %or3A_417, %add3A_410 : vector<3x224x224xi32>
    %add3A_419 = arith.addi %add3A_410, %xor3A_418 : vector<3x224x224xi32>
    %shift_left3A_420 = arith.constant 26 : i32
    %shift_left3A_421 = vector.broadcast %shift_left3A_420 : i32 to vector<3x224x224xi32>
    %shift_left3A_422 = arith.shli %xor3A_418, %shift_left3A_421 : vector<3x224x224xi32>
    %shift_right_logical3A_423 = arith.constant 6 : i32
    %shift_right_logical3A_424 = vector.broadcast %shift_right_logical3A_423 : i32 to vector<3x224x224xi32>
    %shift_right_logical3A_425 = arith.shrui %xor3A_418, %shift_right_logical3A_424 : vector<3x224x224xi32>
    %or3A_426 = arith.ori %shift_left3A_422, %shift_right_logical3A_425 : vector<3x224x224xi32>
    %xor3A_427 = arith.xori %or3A_426, %add3A_419 : vector<3x224x224xi32>
    %add3A_428 = arith.addi %add3A_419, %xor3A_427 : vector<3x224x224xi32>
    %shift_left3A_429 = arith.constant 6 : i32
    %shift_left3A_430 = vector.broadcast %shift_left3A_429 : i32 to vector<3x224x224xi32>
    %shift_left3A_431 = arith.shli %xor3A_427, %shift_left3A_430 : vector<3x224x224xi32>
    %shift_right_logical3A_432 = arith.constant 26 : i32
    %shift_right_logical3A_433 = vector.broadcast %shift_right_logical3A_432 : i32 to vector<3x224x224xi32>
    %shift_right_logical3A_434 = arith.shrui %xor3A_427, %shift_right_logical3A_433 : vector<3x224x224xi32>
    %or3A_435 = arith.ori %shift_left3A_431, %shift_right_logical3A_434 : vector<3x224x224xi32>
    %xor3A_436 = arith.xori %or3A_435, %add3A_428 : vector<3x224x224xi32>
    %add3A_437 = arith.constant 0 : i32
    %add3A_438 = vector.broadcast %add3A_437 : i32 to vector<3x224x224xi32>
    %add3A_439 = arith.addi %add3A_428, %add3A_438 : vector<3x224x224xi32>
    %add3A_440 = arith.constant 1237 : i32
    %add3A_441 = vector.broadcast %add3A_440 : i32 to vector<3x224x224xi32>
    %add3A_442 = arith.addi %xor3A_436, %add3A_441 : vector<3x224x224xi32>
    %add3A_443 = arith.addi %add3A_439, %add3A_442 : vector<3x224x224xi32>
    %shift_left3A_444 = arith.constant 17 : i32
    %shift_left3A_445 = vector.broadcast %shift_left3A_444 : i32 to vector<3x224x224xi32>
    %shift_left3A_446 = arith.shli %add3A_442, %shift_left3A_445 : vector<3x224x224xi32>
    %shift_right_logical3A_447 = arith.constant 15 : i32
    %shift_right_logical3A_448 = vector.broadcast %shift_right_logical3A_447 : i32 to vector<3x224x224xi32>
    %shift_right_logical3A_449 = arith.shrui %add3A_442, %shift_right_logical3A_448 : vector<3x224x224xi32>
    %or3A_450 = arith.ori %shift_left3A_446, %shift_right_logical3A_449 : vector<3x224x224xi32>
    %xor3A_451 = arith.xori %or3A_450, %add3A_443 : vector<3x224x224xi32>
    %add3A_452 = arith.addi %add3A_443, %xor3A_451 : vector<3x224x224xi32>
    %shift_left3A_453 = arith.constant 29 : i32
    %shift_left3A_454 = vector.broadcast %shift_left3A_453 : i32 to vector<3x224x224xi32>
    %shift_left3A_455 = arith.shli %xor3A_451, %shift_left3A_454 : vector<3x224x224xi32>
    %shift_right_logical3A_456 = arith.constant 3 : i32
    %shift_right_logical3A_457 = vector.broadcast %shift_right_logical3A_456 : i32 to vector<3x224x224xi32>
    %shift_right_logical3A_458 = arith.shrui %xor3A_451, %shift_right_logical3A_457 : vector<3x224x224xi32>
    %or3A_459 = arith.ori %shift_left3A_455, %shift_right_logical3A_458 : vector<3x224x224xi32>
    %xor3A_460 = arith.xori %or3A_459, %add3A_452 : vector<3x224x224xi32>
    %add3A_461 = arith.addi %add3A_452, %xor3A_460 : vector<3x224x224xi32>
    %shift_left3A_462 = arith.constant 16 : i32
    %shift_left3A_463 = vector.broadcast %shift_left3A_462 : i32 to vector<3x224x224xi32>
    %shift_left3A_464 = arith.shli %xor3A_460, %shift_left3A_463 : vector<3x224x224xi32>
    %shift_right_logical3A_465 = arith.constant 16 : i32
    %shift_right_logical3A_466 = vector.broadcast %shift_right_logical3A_465 : i32 to vector<3x224x224xi32>
    %shift_right_logical3A_467 = arith.shrui %xor3A_460, %shift_right_logical3A_466 : vector<3x224x224xi32>
    %or3A_468 = arith.ori %shift_left3A_464, %shift_right_logical3A_467 : vector<3x224x224xi32>
    %xor3A_469 = arith.xori %or3A_468, %add3A_461 : vector<3x224x224xi32>
    %add3A_470 = arith.addi %add3A_461, %xor3A_469 : vector<3x224x224xi32>
    %shift_left3A_471 = arith.constant 24 : i32
    %shift_left3A_472 = vector.broadcast %shift_left3A_471 : i32 to vector<3x224x224xi32>
    %shift_left3A_473 = arith.shli %xor3A_469, %shift_left3A_472 : vector<3x224x224xi32>
    %shift_right_logical3A_474 = arith.constant 8 : i32
    %shift_right_logical3A_475 = vector.broadcast %shift_right_logical3A_474 : i32 to vector<3x224x224xi32>
    %shift_right_logical3A_476 = arith.shrui %xor3A_469, %shift_right_logical3A_475 : vector<3x224x224xi32>
    %or3A_477 = arith.ori %shift_left3A_473, %shift_right_logical3A_476 : vector<3x224x224xi32>
    %xor3A_478 = arith.xori %or3A_477, %add3A_470 : vector<3x224x224xi32>
    %add3A_479 = arith.constant 1234 : i32
    %add3A_480 = vector.broadcast %add3A_479 : i32 to vector<3x224x224xi32>
    %add3A_481 = arith.addi %add3A_470, %add3A_480 : vector<3x224x224xi32>
    %add3A_482 = arith.constant 466689804 : i32
    %add3A_483 = vector.broadcast %add3A_482 : i32 to vector<3x224x224xi32>
    %add3A_484 = arith.addi %xor3A_478, %add3A_483 : vector<3x224x224xi32>
    %add3A_485 = arith.addi %add3A_481, %add3A_484 : vector<3x224x224xi32>
    %shift_left3A_486 = arith.constant 13 : i32
    %shift_left3A_487 = vector.broadcast %shift_left3A_486 : i32 to vector<3x224x224xi32>
    %shift_left3A_488 = arith.shli %add3A_484, %shift_left3A_487 : vector<3x224x224xi32>
    %shift_right_logical3A_489 = arith.constant 19 : i32
    %shift_right_logical3A_490 = vector.broadcast %shift_right_logical3A_489 : i32 to vector<3x224x224xi32>
    %shift_right_logical3A_491 = arith.shrui %add3A_484, %shift_right_logical3A_490 : vector<3x224x224xi32>
    %or3A_492 = arith.ori %shift_left3A_488, %shift_right_logical3A_491 : vector<3x224x224xi32>
    %xor3A_493 = arith.xori %or3A_492, %add3A_485 : vector<3x224x224xi32>
    %add3A_494 = arith.addi %add3A_485, %xor3A_493 : vector<3x224x224xi32>
    %shift_left3A_495 = arith.constant 15 : i32
    %shift_left3A_496 = vector.broadcast %shift_left3A_495 : i32 to vector<3x224x224xi32>
    %shift_left3A_497 = arith.shli %xor3A_493, %shift_left3A_496 : vector<3x224x224xi32>
    %shift_right_logical3A_498 = arith.constant 17 : i32
    %shift_right_logical3A_499 = vector.broadcast %shift_right_logical3A_498 : i32 to vector<3x224x224xi32>
    %shift_right_logical3A_500 = arith.shrui %xor3A_493, %shift_right_logical3A_499 : vector<3x224x224xi32>
    %or3A_501 = arith.ori %shift_left3A_497, %shift_right_logical3A_500 : vector<3x224x224xi32>
    %xor3A_502 = arith.xori %or3A_501, %add3A_494 : vector<3x224x224xi32>
    %add3A_503 = arith.addi %add3A_494, %xor3A_502 : vector<3x224x224xi32>
    %shift_left3A_504 = arith.constant 26 : i32
    %shift_left3A_505 = vector.broadcast %shift_left3A_504 : i32 to vector<3x224x224xi32>
    %shift_left3A_506 = arith.shli %xor3A_502, %shift_left3A_505 : vector<3x224x224xi32>
    %shift_right_logical3A_507 = arith.constant 6 : i32
    %shift_right_logical3A_508 = vector.broadcast %shift_right_logical3A_507 : i32 to vector<3x224x224xi32>
    %shift_right_logical3A_509 = arith.shrui %xor3A_502, %shift_right_logical3A_508 : vector<3x224x224xi32>
    %or3A_510 = arith.ori %shift_left3A_506, %shift_right_logical3A_509 : vector<3x224x224xi32>
    %xor3A_511 = arith.xori %or3A_510, %add3A_503 : vector<3x224x224xi32>
    %add3A_512 = arith.addi %add3A_503, %xor3A_511 : vector<3x224x224xi32>
    %shift_left3A_513 = arith.constant 6 : i32
    %shift_left3A_514 = vector.broadcast %shift_left3A_513 : i32 to vector<3x224x224xi32>
    %shift_left3A_515 = arith.shli %xor3A_511, %shift_left3A_514 : vector<3x224x224xi32>
    %shift_right_logical3A_516 = arith.constant 26 : i32
    %shift_right_logical3A_517 = vector.broadcast %shift_right_logical3A_516 : i32 to vector<3x224x224xi32>
    %shift_right_logical3A_518 = arith.shrui %xor3A_511, %shift_right_logical3A_517 : vector<3x224x224xi32>
    %or3A_519 = arith.ori %shift_left3A_515, %shift_right_logical3A_518 : vector<3x224x224xi32>
    %xor3A_520 = arith.xori %or3A_519, %add3A_512 : vector<3x224x224xi32>
    %add3A_521 = arith.constant 466689800 : i32
    %add3A_522 = vector.broadcast %add3A_521 : i32 to vector<3x224x224xi32>
    %add3A_523 = arith.addi %add3A_512, %add3A_522 : vector<3x224x224xi32>
    %add3A_524 = arith.constant 5 : i32
    %add3A_525 = vector.broadcast %add3A_524 : i32 to vector<3x224x224xi32>
    %add3A_526 = arith.addi %xor3A_520, %add3A_525 : vector<3x224x224xi32>
    %xor3A_527 = arith.xori %add3A_523, %add3A_526 : vector<3x224x224xi32>
    %shift_right_logical3A_528 = arith.constant 9 : i32
    %shift_right_logical3A_529 = vector.broadcast %shift_right_logical3A_528 : i32 to vector<3x224x224xi32>
    %shift_right_logical3A_530 = arith.shrui %xor3A_527, %shift_right_logical3A_529 : vector<3x224x224xi32>
    %or3A_531 = arith.constant 1073741824 : i32
    %or3A_532 = vector.broadcast %or3A_531 : i32 to vector<3x224x224xi32>
    %or3A_533 = arith.ori %shift_right_logical3A_530, %or3A_532 : vector<3x224x224xi32>
    %bitcast_convert_type3A_534 = tpu.bitcast %or3A_533 : vector<3x224x224xi32> -> vector<3x224x224xf32>
    %sub3A_535 = arith.constant 3.000000e+00 : f32
    %sub3A_536 = vector.broadcast %sub3A_535 : f32 to vector<3x224x224xf32>
    %sub3A_537 = arith.subf %bitcast_convert_type3A_534, %sub3A_536 : vector<3x224x224xf32>
    %max3A_538 = arith.constant -0.99999994 : f32
    %max3A_539 = vector.broadcast %max3A_538 : f32 to vector<3x224x224xf32>
    %max3A_540 = arith.maximumf %max3A_539, %sub3A_537 : vector<3x224x224xf32>
    %mul3A_541 = arith.mulf %max3A_540, %max3A_540 : vector<3x224x224xf32>
    %sub3A_542 = arith.constant 1.000000e+00 : f32
    %sub3A_543 = vector.broadcast %sub3A_542 : f32 to vector<3x224x224xf32>
    %sub3A_544 = arith.subf %sub3A_543, %mul3A_541 : vector<3x224x224xf32>
    %log3A_545 = math.log %sub3A_544 : vector<3x224x224xf32>
    %log3A_546 = arith.constant 2.000000e+00 : f32
    %log3A_547 = math.log %log3A_546 : f32
    %div3A_548 = vector.broadcast %log3A_547 : f32 to vector<3x224x224xf32>
    %div3A_549 = arith.divf %log3A_545, %div3A_548 : vector<3x224x224xf32>
    %neg3A_550 = arith.constant 0.000000e+00 : f32
    %neg3A_551 = vector.broadcast %neg3A_550 : f32 to vector<3x224x224xf32>
    %neg3A_552 = arith.subf %neg3A_551, %div3A_549 : vector<3x224x224xf32>
    %sqrt3A_553 = math.sqrt %neg3A_552 : vector<3x224x224xf32>
    %broadcast_in_dim3A_554 = arith.constant 7.95371597E-5 : f32
    %broadcast_in_dim3A_555 = vector.broadcast %broadcast_in_dim3A_554 : f32 to vector<3x224x224xf32>
    %mul3A_556 = arith.mulf %broadcast_in_dim3A_555, %sqrt3A_553 : vector<3x224x224xf32>
    %add3A_557 = arith.constant -0.00179744256 : f32
    %add3A_558 = vector.broadcast %add3A_557 : f32 to vector<3x224x224xf32>
    %add3A_559 = arith.addf %mul3A_556, %add3A_558 : vector<3x224x224xf32>
    %mul3A_560 = arith.mulf %add3A_559, %sqrt3A_553 : vector<3x224x224xf32>
    %add3A_561 = arith.constant 0.01615954 : f32
    %add3A_562 = vector.broadcast %add3A_561 : f32 to vector<3x224x224xf32>
    %add3A_563 = arith.addf %mul3A_560, %add3A_562 : vector<3x224x224xf32>
    %mul3A_564 = arith.mulf %add3A_563, %sqrt3A_553 : vector<3x224x224xf32>
    %add3A_565 = arith.constant -0.0718614161 : f32
    %add3A_566 = vector.broadcast %add3A_565 : f32 to vector<3x224x224xf32>
    %add3A_567 = arith.addf %mul3A_564, %add3A_566 : vector<3x224x224xf32>
    %mul3A_568 = arith.mulf %add3A_567, %sqrt3A_553 : vector<3x224x224xf32>
    %add3A_569 = arith.constant 0.157402381 : f32
    %add3A_570 = vector.broadcast %add3A_569 : f32 to vector<3x224x224xf32>
    %add3A_571 = arith.addf %mul3A_568, %add3A_570 : vector<3x224x224xf32>
    %mul3A_572 = arith.mulf %add3A_571, %sqrt3A_553 : vector<3x224x224xf32>
    %add3A_573 = arith.constant -0.162489876 : f32
    %add3A_574 = vector.broadcast %add3A_573 : f32 to vector<3x224x224xf32>
    %add3A_575 = arith.addf %mul3A_572, %add3A_574 : vector<3x224x224xf32>
    %mul3A_576 = arith.mulf %add3A_575, %sqrt3A_553 : vector<3x224x224xf32>
    %add3A_577 = arith.constant 0.314724475 : f32
    %add3A_578 = vector.broadcast %add3A_577 : f32 to vector<3x224x224xf32>
    %add3A_579 = arith.addf %mul3A_576, %add3A_578 : vector<3x224x224xf32>
    %mul3A_580 = arith.mulf %add3A_579, %sqrt3A_553 : vector<3x224x224xf32>
    %add3A_581 = arith.constant -0.0192525517 : f32
    %add3A_582 = vector.broadcast %add3A_581 : f32 to vector<3x224x224xf32>
    %add3A_583 = arith.addf %mul3A_580, %add3A_582 : vector<3x224x224xf32>
    %mul3A_584 = arith.mulf %add3A_583, %sqrt3A_553 : vector<3x224x224xf32>
    %add3A_585 = arith.constant 1.25433123 : f32
    %add3A_586 = vector.broadcast %add3A_585 : f32 to vector<3x224x224xf32>
    %add3A_587 = arith.addf %mul3A_584, %add3A_586 : vector<3x224x224xf32>
    %mul3A_588 = arith.mulf %add3A_587, %max3A_540 : vector<3x224x224xf32>
    %get3A_589 = arith.index_cast %arg0 : i32 to index
    %get3A_590 = arith.constant 1 : index
    %get3A_591 = memref.load %arg1[%get3A_589, %get3A_590] : memref<32x4xf32, #tpu.memory_space<smem>>
    %get3A_592 = arith.index_cast %arg0 : i32 to index
    %get3A_593 = arith.constant 1 : index
    %get3A_594 = memref.load %arg2[%get3A_592, %get3A_593] : memref<32x4xf32, #tpu.memory_space<smem>>
    %swap3A_595 = arith.constant 0 : index
    %swap3A_596 = arith.constant 1 : index
    %swap3A_597 = arith.constant 0 : index
    %swap3A_598 = arith.constant 0 : index
    %swap3A_599 = arith.constant 0 : index
    %swap3A_600 = vector.load %arg5[%swap3A_595, %swap3A_596, %swap3A_597, %swap3A_598, %swap3A_599] : memref<1x4x3x224x224xf32, #tpu.memory_space<vmem>>, vector<1x1x3x224x224xf32>
    %swap3A_601 = vector.shape_cast %swap3A_600 : vector<1x1x3x224x224xf32> to vector<3x224x224xf32>
    %swap3A_602 = vector.shape_cast %mul3A_588 : vector<3x224x224xf32> to vector<1x1x3x224x224xf32>
    tpu.vector_store %arg5[%swap3A_595, %swap3A_596, %swap3A_597, %swap3A_598, %swap3A_599], %swap3A_602 {strides = array<i32>} : memref<1x4x3x224x224xf32, #tpu.memory_space<vmem>>, vector<1x1x3x224x224xf32>,
    %mul3A_603 = vector.broadcast %get3A_591 : f32 to vector<3x224x224xf32>
    %mul3A_604 = arith.mulf %mul3A_603, %get3A_4 : vector<3x224x224xf32>
    %mul3A_605 = vector.broadcast %get3A_594 : f32 to vector<3x224x224xf32>
    %mul3A_606 = arith.mulf %mul3A_588, %mul3A_605 : vector<3x224x224xf32>
    %add3A_607 = arith.addf %mul3A_604, %mul3A_606 : vector<3x224x224xf32>
    %swap3A_608 = arith.constant 0 : index
    %swap3A_609 = arith.constant 1 : index
    %swap3A_610 = arith.constant 0 : index
    %swap3A_611 = arith.constant 0 : index
    %swap3A_612 = arith.constant 0 : index
    %swap3A_613 = vector.load %arg4[%swap3A_608, %swap3A_609, %swap3A_610, %swap3A_611, %swap3A_612] : memref<1x4x3x224x224xf32, #tpu.memory_space<vmem>>, vector<1x1x3x224x224xf32>
    %swap3A_614 = vector.shape_cast %swap3A_613 : vector<1x1x3x224x224xf32> to vector<3x224x224xf32>
    %swap3A_615 = vector.shape_cast %add3A_607 : vector<3x224x224xf32> to vector<1x1x3x224x224xf32>
    tpu.vector_store %arg4[%swap3A_608, %swap3A_609, %swap3A_610, %swap3A_611, %swap3A_612], %swap3A_615 {strides = array<i32>} : memref<1x4x3x224x224xf32, #tpu.memory_space<vmem>>, vector<1x1x3x224x224xf32>,
    %mul3A_616 = arith.constant 4 : i32
    %mul3A_617 = arith.muli %arg0, %mul3A_616 : i32
    %add3A_618 = arith.constant 2 : i32
    %add3A_619 = arith.addi %mul3A_617, %add3A_618 : i32
    %mul3A_620 = arith.constant 150528 : i32
    %mul3A_621 = arith.muli %add3A_619, %mul3A_620 : i32
    %add3A_622 = arith.constant 1234 : i32
    %add3A_623 = arith.addi %mul3A_621, %add3A_622 : i32
    %add3A_624 = vector.broadcast %add3A_623 : i32 to vector<3x224x224xi32>
    %add3A_625 = arith.addi %add3A_624, %add3A_12 : vector<3x224x224xi32>
    %shift_left3A_626 = arith.constant 13 : i32
    %shift_left3A_627 = vector.broadcast %shift_left3A_626 : i32 to vector<3x224x224xi32>
    %shift_left3A_628 = arith.shli %add3A_625, %shift_left3A_627 : vector<3x224x224xi32>
    %shift_right_logical3A_629 = arith.constant 19 : i32
    %shift_right_logical3A_630 = vector.broadcast %shift_right_logical3A_629 : i32 to vector<3x224x224xi32>
    %shift_right_logical3A_631 = arith.shrui %add3A_625, %shift_right_logical3A_630 : vector<3x224x224xi32>
    %or3A_632 = arith.ori %shift_left3A_628, %shift_right_logical3A_631 : vector<3x224x224xi32>
    %xor3A_633 = arith.xori %or3A_632, %add3A_625 : vector<3x224x224xi32>
    %add3A_634 = arith.addi %add3A_625, %xor3A_633 : vector<3x224x224xi32>
    %shift_left3A_635 = arith.constant 15 : i32
    %shift_left3A_636 = vector.broadcast %shift_left3A_635 : i32 to vector<3x224x224xi32>
    %shift_left3A_637 = arith.shli %xor3A_633, %shift_left3A_636 : vector<3x224x224xi32>
    %shift_right_logical3A_638 = arith.constant 17 : i32
    %shift_right_logical3A_639 = vector.broadcast %shift_right_logical3A_638 : i32 to vector<3x224x224xi32>
    %shift_right_logical3A_640 = arith.shrui %xor3A_633, %shift_right_logical3A_639 : vector<3x224x224xi32>
    %or3A_641 = arith.ori %shift_left3A_637, %shift_right_logical3A_640 : vector<3x224x224xi32>
    %xor3A_642 = arith.xori %or3A_641, %add3A_634 : vector<3x224x224xi32>
    %add3A_643 = arith.addi %add3A_634, %xor3A_642 : vector<3x224x224xi32>
    %shift_left3A_644 = arith.constant 26 : i32
    %shift_left3A_645 = vector.broadcast %shift_left3A_644 : i32 to vector<3x224x224xi32>
    %shift_left3A_646 = arith.shli %xor3A_642, %shift_left3A_645 : vector<3x224x224xi32>
    %shift_right_logical3A_647 = arith.constant 6 : i32
    %shift_right_logical3A_648 = vector.broadcast %shift_right_logical3A_647 : i32 to vector<3x224x224xi32>
    %shift_right_logical3A_649 = arith.shrui %xor3A_642, %shift_right_logical3A_648 : vector<3x224x224xi32>
    %or3A_650 = arith.ori %shift_left3A_646, %shift_right_logical3A_649 : vector<3x224x224xi32>
    %xor3A_651 = arith.xori %or3A_650, %add3A_643 : vector<3x224x224xi32>
    %add3A_652 = arith.addi %add3A_643, %xor3A_651 : vector<3x224x224xi32>
    %shift_left3A_653 = arith.constant 6 : i32
    %shift_left3A_654 = vector.broadcast %shift_left3A_653 : i32 to vector<3x224x224xi32>
    %shift_left3A_655 = arith.shli %xor3A_651, %shift_left3A_654 : vector<3x224x224xi32>
    %shift_right_logical3A_656 = arith.constant 26 : i32
    %shift_right_logical3A_657 = vector.broadcast %shift_right_logical3A_656 : i32 to vector<3x224x224xi32>
    %shift_right_logical3A_658 = arith.shrui %xor3A_651, %shift_right_logical3A_657 : vector<3x224x224xi32>
    %or3A_659 = arith.ori %shift_left3A_655, %shift_right_logical3A_658 : vector<3x224x224xi32>
    %xor3A_660 = arith.xori %or3A_659, %add3A_652 : vector<3x224x224xi32>
    %add3A_661 = arith.constant 1234 : i32
    %add3A_662 = vector.broadcast %add3A_661 : i32 to vector<3x224x224xi32>
    %add3A_663 = arith.addi %add3A_652, %add3A_662 : vector<3x224x224xi32>
    %add3A_664 = arith.constant 466689801 : i32
    %add3A_665 = vector.broadcast %add3A_664 : i32 to vector<3x224x224xi32>
    %add3A_666 = arith.addi %xor3A_660, %add3A_665 : vector<3x224x224xi32>
    %add3A_667 = arith.addi %add3A_663, %add3A_666 : vector<3x224x224xi32>
    %shift_left3A_668 = arith.constant 17 : i32
    %shift_left3A_669 = vector.broadcast %shift_left3A_668 : i32 to vector<3x224x224xi32>
    %shift_left3A_670 = arith.shli %add3A_666, %shift_left3A_669 : vector<3x224x224xi32>
    %shift_right_logical3A_671 = arith.constant 15 : i32
    %shift_right_logical3A_672 = vector.broadcast %shift_right_logical3A_671 : i32 to vector<3x224x224xi32>
    %shift_right_logical3A_673 = arith.shrui %add3A_666, %shift_right_logical3A_672 : vector<3x224x224xi32>
    %or3A_674 = arith.ori %shift_left3A_670, %shift_right_logical3A_673 : vector<3x224x224xi32>
    %xor3A_675 = arith.xori %or3A_674, %add3A_667 : vector<3x224x224xi32>
    %add3A_676 = arith.addi %add3A_667, %xor3A_675 : vector<3x224x224xi32>
    %shift_left3A_677 = arith.constant 29 : i32
    %shift_left3A_678 = vector.broadcast %shift_left3A_677 : i32 to vector<3x224x224xi32>
    %shift_left3A_679 = arith.shli %xor3A_675, %shift_left3A_678 : vector<3x224x224xi32>
    %shift_right_logical3A_680 = arith.constant 3 : i32
    %shift_right_logical3A_681 = vector.broadcast %shift_right_logical3A_680 : i32 to vector<3x224x224xi32>
    %shift_right_logical3A_682 = arith.shrui %xor3A_675, %shift_right_logical3A_681 : vector<3x224x224xi32>
    %or3A_683 = arith.ori %shift_left3A_679, %shift_right_logical3A_682 : vector<3x224x224xi32>
    %xor3A_684 = arith.xori %or3A_683, %add3A_676 : vector<3x224x224xi32>
    %add3A_685 = arith.addi %add3A_676, %xor3A_684 : vector<3x224x224xi32>
    %shift_left3A_686 = arith.constant 16 : i32
    %shift_left3A_687 = vector.broadcast %shift_left3A_686 : i32 to vector<3x224x224xi32>
    %shift_left3A_688 = arith.shli %xor3A_684, %shift_left3A_687 : vector<3x224x224xi32>
    %shift_right_logical3A_689 = arith.constant 16 : i32
    %shift_right_logical3A_690 = vector.broadcast %shift_right_logical3A_689 : i32 to vector<3x224x224xi32>
    %shift_right_logical3A_691 = arith.shrui %xor3A_684, %shift_right_logical3A_690 : vector<3x224x224xi32>
    %or3A_692 = arith.ori %shift_left3A_688, %shift_right_logical3A_691 : vector<3x224x224xi32>
    %xor3A_693 = arith.xori %or3A_692, %add3A_685 : vector<3x224x224xi32>
    %add3A_694 = arith.addi %add3A_685, %xor3A_693 : vector<3x224x224xi32>
    %shift_left3A_695 = arith.constant 24 : i32
    %shift_left3A_696 = vector.broadcast %shift_left3A_695 : i32 to vector<3x224x224xi32>
    %shift_left3A_697 = arith.shli %xor3A_693, %shift_left3A_696 : vector<3x224x224xi32>
    %shift_right_logical3A_698 = arith.constant 8 : i32
    %shift_right_logical3A_699 = vector.broadcast %shift_right_logical3A_698 : i32 to vector<3x224x224xi32>
    %shift_right_logical3A_700 = arith.shrui %xor3A_693, %shift_right_logical3A_699 : vector<3x224x224xi32>
    %or3A_701 = arith.ori %shift_left3A_697, %shift_right_logical3A_700 : vector<3x224x224xi32>
    %xor3A_702 = arith.xori %or3A_701, %add3A_694 : vector<3x224x224xi32>
    %add3A_703 = arith.constant 466689800 : i32
    %add3A_704 = vector.broadcast %add3A_703 : i32 to vector<3x224x224xi32>
    %add3A_705 = arith.addi %add3A_694, %add3A_704 : vector<3x224x224xi32>
    %add3A_706 = arith.constant 2 : i32
    %add3A_707 = vector.broadcast %add3A_706 : i32 to vector<3x224x224xi32>
    %add3A_708 = arith.addi %xor3A_702, %add3A_707 : vector<3x224x224xi32>
    %add3A_709 = arith.addi %add3A_705, %add3A_708 : vector<3x224x224xi32>
    %shift_left3A_710 = arith.constant 13 : i32
    %shift_left3A_711 = vector.broadcast %shift_left3A_710 : i32 to vector<3x224x224xi32>
    %shift_left3A_712 = arith.shli %add3A_708, %shift_left3A_711 : vector<3x224x224xi32>
    %shift_right_logical3A_713 = arith.constant 19 : i32
    %shift_right_logical3A_714 = vector.broadcast %shift_right_logical3A_713 : i32 to vector<3x224x224xi32>
    %shift_right_logical3A_715 = arith.shrui %add3A_708, %shift_right_logical3A_714 : vector<3x224x224xi32>
    %or3A_716 = arith.ori %shift_left3A_712, %shift_right_logical3A_715 : vector<3x224x224xi32>
    %xor3A_717 = arith.xori %or3A_716, %add3A_709 : vector<3x224x224xi32>
    %add3A_718 = arith.addi %add3A_709, %xor3A_717 : vector<3x224x224xi32>
    %shift_left3A_719 = arith.constant 15 : i32
    %shift_left3A_720 = vector.broadcast %shift_left3A_719 : i32 to vector<3x224x224xi32>
    %shift_left3A_721 = arith.shli %xor3A_717, %shift_left3A_720 : vector<3x224x224xi32>
    %shift_right_logical3A_722 = arith.constant 17 : i32
    %shift_right_logical3A_723 = vector.broadcast %shift_right_logical3A_722 : i32 to vector<3x224x224xi32>
    %shift_right_logical3A_724 = arith.shrui %xor3A_717, %shift_right_logical3A_723 : vector<3x224x224xi32>
    %or3A_725 = arith.ori %shift_left3A_721, %shift_right_logical3A_724 : vector<3x224x224xi32>
    %xor3A_726 = arith.xori %or3A_725, %add3A_718 : vector<3x224x224xi32>
    %add3A_727 = arith.addi %add3A_718, %xor3A_726 : vector<3x224x224xi32>
    %shift_left3A_728 = arith.constant 26 : i32
    %shift_left3A_729 = vector.broadcast %shift_left3A_728 : i32 to vector<3x224x224xi32>
    %shift_left3A_730 = arith.shli %xor3A_726, %shift_left3A_729 : vector<3x224x224xi32>
    %shift_right_logical3A_731 = arith.constant 6 : i32
    %shift_right_logical3A_732 = vector.broadcast %shift_right_logical3A_731 : i32 to vector<3x224x224xi32>
    %shift_right_logical3A_733 = arith.shrui %xor3A_726, %shift_right_logical3A_732 : vector<3x224x224xi32>
    %or3A_734 = arith.ori %shift_left3A_730, %shift_right_logical3A_733 : vector<3x224x224xi32>
    %xor3A_735 = arith.xori %or3A_734, %add3A_727 : vector<3x224x224xi32>
    %add3A_736 = arith.addi %add3A_727, %xor3A_735 : vector<3x224x224xi32>
    %shift_left3A_737 = arith.constant 6 : i32
    %shift_left3A_738 = vector.broadcast %shift_left3A_737 : i32 to vector<3x224x224xi32>
    %shift_left3A_739 = arith.shli %xor3A_735, %shift_left3A_738 : vector<3x224x224xi32>
    %shift_right_logical3A_740 = arith.constant 26 : i32
    %shift_right_logical3A_741 = vector.broadcast %shift_right_logical3A_740 : i32 to vector<3x224x224xi32>
    %shift_right_logical3A_742 = arith.shrui %xor3A_735, %shift_right_logical3A_741 : vector<3x224x224xi32>
    %or3A_743 = arith.ori %shift_left3A_739, %shift_right_logical3A_742 : vector<3x224x224xi32>
    %xor3A_744 = arith.xori %or3A_743, %add3A_736 : vector<3x224x224xi32>
    %add3A_745 = arith.constant 0 : i32
    %add3A_746 = vector.broadcast %add3A_745 : i32 to vector<3x224x224xi32>
    %add3A_747 = arith.addi %add3A_736, %add3A_746 : vector<3x224x224xi32>
    %add3A_748 = arith.constant 1237 : i32
    %add3A_749 = vector.broadcast %add3A_748 : i32 to vector<3x224x224xi32>
    %add3A_750 = arith.addi %xor3A_744, %add3A_749 : vector<3x224x224xi32>
    %add3A_751 = arith.addi %add3A_747, %add3A_750 : vector<3x224x224xi32>
    %shift_left3A_752 = arith.constant 17 : i32
    %shift_left3A_753 = vector.broadcast %shift_left3A_752 : i32 to vector<3x224x224xi32>
    %shift_left3A_754 = arith.shli %add3A_750, %shift_left3A_753 : vector<3x224x224xi32>
    %shift_right_logical3A_755 = arith.constant 15 : i32
    %shift_right_logical3A_756 = vector.broadcast %shift_right_logical3A_755 : i32 to vector<3x224x224xi32>
    %shift_right_logical3A_757 = arith.shrui %add3A_750, %shift_right_logical3A_756 : vector<3x224x224xi32>
    %or3A_758 = arith.ori %shift_left3A_754, %shift_right_logical3A_757 : vector<3x224x224xi32>
    %xor3A_759 = arith.xori %or3A_758, %add3A_751 : vector<3x224x224xi32>
    %add3A_760 = arith.addi %add3A_751, %xor3A_759 : vector<3x224x224xi32>
    %shift_left3A_761 = arith.constant 29 : i32
    %shift_left3A_762 = vector.broadcast %shift_left3A_761 : i32 to vector<3x224x224xi32>
    %shift_left3A_763 = arith.shli %xor3A_759, %shift_left3A_762 : vector<3x224x224xi32>
    %shift_right_logical3A_764 = arith.constant 3 : i32
    %shift_right_logical3A_765 = vector.broadcast %shift_right_logical3A_764 : i32 to vector<3x224x224xi32>
    %shift_right_logical3A_766 = arith.shrui %xor3A_759, %shift_right_logical3A_765 : vector<3x224x224xi32>
    %or3A_767 = arith.ori %shift_left3A_763, %shift_right_logical3A_766 : vector<3x224x224xi32>
    %xor3A_768 = arith.xori %or3A_767, %add3A_760 : vector<3x224x224xi32>
    %add3A_769 = arith.addi %add3A_760, %xor3A_768 : vector<3x224x224xi32>
    %shift_left3A_770 = arith.constant 16 : i32
    %shift_left3A_771 = vector.broadcast %shift_left3A_770 : i32 to vector<3x224x224xi32>
    %shift_left3A_772 = arith.shli %xor3A_768, %shift_left3A_771 : vector<3x224x224xi32>
    %shift_right_logical3A_773 = arith.constant 16 : i32
    %shift_right_logical3A_774 = vector.broadcast %shift_right_logical3A_773 : i32 to vector<3x224x224xi32>
    %shift_right_logical3A_775 = arith.shrui %xor3A_768, %shift_right_logical3A_774 : vector<3x224x224xi32>
    %or3A_776 = arith.ori %shift_left3A_772, %shift_right_logical3A_775 : vector<3x224x224xi32>
    %xor3A_777 = arith.xori %or3A_776, %add3A_769 : vector<3x224x224xi32>
    %add3A_778 = arith.addi %add3A_769, %xor3A_777 : vector<3x224x224xi32>
    %shift_left3A_779 = arith.constant 24 : i32
    %shift_left3A_780 = vector.broadcast %shift_left3A_779 : i32 to vector<3x224x224xi32>
    %shift_left3A_781 = arith.shli %xor3A_777, %shift_left3A_780 : vector<3x224x224xi32>
    %shift_right_logical3A_782 = arith.constant 8 : i32
    %shift_right_logical3A_783 = vector.broadcast %shift_right_logical3A_782 : i32 to vector<3x224x224xi32>
    %shift_right_logical3A_784 = arith.shrui %xor3A_777, %shift_right_logical3A_783 : vector<3x224x224xi32>
    %or3A_785 = arith.ori %shift_left3A_781, %shift_right_logical3A_784 : vector<3x224x224xi32>
    %xor3A_786 = arith.xori %or3A_785, %add3A_778 : vector<3x224x224xi32>
    %add3A_787 = arith.constant 1234 : i32
    %add3A_788 = vector.broadcast %add3A_787 : i32 to vector<3x224x224xi32>
    %add3A_789 = arith.addi %add3A_778, %add3A_788 : vector<3x224x224xi32>
    %add3A_790 = arith.constant 466689804 : i32
    %add3A_791 = vector.broadcast %add3A_790 : i32 to vector<3x224x224xi32>
    %add3A_792 = arith.addi %xor3A_786, %add3A_791 : vector<3x224x224xi32>
    %add3A_793 = arith.addi %add3A_789, %add3A_792 : vector<3x224x224xi32>
    %shift_left3A_794 = arith.constant 13 : i32
    %shift_left3A_795 = vector.broadcast %shift_left3A_794 : i32 to vector<3x224x224xi32>
    %shift_left3A_796 = arith.shli %add3A_792, %shift_left3A_795 : vector<3x224x224xi32>
    %shift_right_logical3A_797 = arith.constant 19 : i32
    %shift_right_logical3A_798 = vector.broadcast %shift_right_logical3A_797 : i32 to vector<3x224x224xi32>
    %shift_right_logical3A_799 = arith.shrui %add3A_792, %shift_right_logical3A_798 : vector<3x224x224xi32>
    %or3A_800 = arith.ori %shift_left3A_796, %shift_right_logical3A_799 : vector<3x224x224xi32>
    %xor3A_801 = arith.xori %or3A_800, %add3A_793 : vector<3x224x224xi32>
    %add3A_802 = arith.addi %add3A_793, %xor3A_801 : vector<3x224x224xi32>
    %shift_left3A_803 = arith.constant 15 : i32
    %shift_left3A_804 = vector.broadcast %shift_left3A_803 : i32 to vector<3x224x224xi32>
    %shift_left3A_805 = arith.shli %xor3A_801, %shift_left3A_804 : vector<3x224x224xi32>
    %shift_right_logical3A_806 = arith.constant 17 : i32
    %shift_right_logical3A_807 = vector.broadcast %shift_right_logical3A_806 : i32 to vector<3x224x224xi32>
    %shift_right_logical3A_808 = arith.shrui %xor3A_801, %shift_right_logical3A_807 : vector<3x224x224xi32>
    %or3A_809 = arith.ori %shift_left3A_805, %shift_right_logical3A_808 : vector<3x224x224xi32>
    %xor3A_810 = arith.xori %or3A_809, %add3A_802 : vector<3x224x224xi32>
    %add3A_811 = arith.addi %add3A_802, %xor3A_810 : vector<3x224x224xi32>
    %shift_left3A_812 = arith.constant 26 : i32
    %shift_left3A_813 = vector.broadcast %shift_left3A_812 : i32 to vector<3x224x224xi32>
    %shift_left3A_814 = arith.shli %xor3A_810, %shift_left3A_813 : vector<3x224x224xi32>
    %shift_right_logical3A_815 = arith.constant 6 : i32
    %shift_right_logical3A_816 = vector.broadcast %shift_right_logical3A_815 : i32 to vector<3x224x224xi32>
    %shift_right_logical3A_817 = arith.shrui %xor3A_810, %shift_right_logical3A_816 : vector<3x224x224xi32>
    %or3A_818 = arith.ori %shift_left3A_814, %shift_right_logical3A_817 : vector<3x224x224xi32>
    %xor3A_819 = arith.xori %or3A_818, %add3A_811 : vector<3x224x224xi32>
    %add3A_820 = arith.addi %add3A_811, %xor3A_819 : vector<3x224x224xi32>
    %shift_left3A_821 = arith.constant 6 : i32
    %shift_left3A_822 = vector.broadcast %shift_left3A_821 : i32 to vector<3x224x224xi32>
    %shift_left3A_823 = arith.shli %xor3A_819, %shift_left3A_822 : vector<3x224x224xi32>
    %shift_right_logical3A_824 = arith.constant 26 : i32
    %shift_right_logical3A_825 = vector.broadcast %shift_right_logical3A_824 : i32 to vector<3x224x224xi32>
    %shift_right_logical3A_826 = arith.shrui %xor3A_819, %shift_right_logical3A_825 : vector<3x224x224xi32>
    %or3A_827 = arith.ori %shift_left3A_823, %shift_right_logical3A_826 : vector<3x224x224xi32>
    %xor3A_828 = arith.xori %or3A_827, %add3A_820 : vector<3x224x224xi32>
    %add3A_829 = arith.constant 466689800 : i32
    %add3A_830 = vector.broadcast %add3A_829 : i32 to vector<3x224x224xi32>
    %add3A_831 = arith.addi %add3A_820, %add3A_830 : vector<3x224x224xi32>
    %add3A_832 = arith.constant 5 : i32
    %add3A_833 = vector.broadcast %add3A_832 : i32 to vector<3x224x224xi32>
    %add3A_834 = arith.addi %xor3A_828, %add3A_833 : vector<3x224x224xi32>
    %xor3A_835 = arith.xori %add3A_831, %add3A_834 : vector<3x224x224xi32>
    %shift_right_logical3A_836 = arith.constant 9 : i32
    %shift_right_logical3A_837 = vector.broadcast %shift_right_logical3A_836 : i32 to vector<3x224x224xi32>
    %shift_right_logical3A_838 = arith.shrui %xor3A_835, %shift_right_logical3A_837 : vector<3x224x224xi32>
    %or3A_839 = arith.constant 1073741824 : i32
    %or3A_840 = vector.broadcast %or3A_839 : i32 to vector<3x224x224xi32>
    %or3A_841 = arith.ori %shift_right_logical3A_838, %or3A_840 : vector<3x224x224xi32>
    %bitcast_convert_type3A_842 = tpu.bitcast %or3A_841 : vector<3x224x224xi32> -> vector<3x224x224xf32>
    %sub3A_843 = arith.constant 3.000000e+00 : f32
    %sub3A_844 = vector.broadcast %sub3A_843 : f32 to vector<3x224x224xf32>
    %sub3A_845 = arith.subf %bitcast_convert_type3A_842, %sub3A_844 : vector<3x224x224xf32>
    %max3A_846 = arith.constant -0.99999994 : f32
    %max3A_847 = vector.broadcast %max3A_846 : f32 to vector<3x224x224xf32>
    %max3A_848 = arith.maximumf %max3A_847, %sub3A_845 : vector<3x224x224xf32>
    %mul3A_849 = arith.mulf %max3A_848, %max3A_848 : vector<3x224x224xf32>
    %sub3A_850 = arith.constant 1.000000e+00 : f32
    %sub3A_851 = vector.broadcast %sub3A_850 : f32 to vector<3x224x224xf32>
    %sub3A_852 = arith.subf %sub3A_851, %mul3A_849 : vector<3x224x224xf32>
    %log3A_853 = math.log %sub3A_852 : vector<3x224x224xf32>
    %log3A_854 = arith.constant 2.000000e+00 : f32
    %log3A_855 = math.log %log3A_854 : f32
    %div3A_856 = vector.broadcast %log3A_855 : f32 to vector<3x224x224xf32>
    %div3A_857 = arith.divf %log3A_853, %div3A_856 : vector<3x224x224xf32>
    %neg3A_858 = arith.constant 0.000000e+00 : f32
    %neg3A_859 = vector.broadcast %neg3A_858 : f32 to vector<3x224x224xf32>
    %neg3A_860 = arith.subf %neg3A_859, %div3A_857 : vector<3x224x224xf32>
    %sqrt3A_861 = math.sqrt %neg3A_860 : vector<3x224x224xf32>
    %broadcast_in_dim3A_862 = arith.constant 7.95371597E-5 : f32
    %broadcast_in_dim3A_863 = vector.broadcast %broadcast_in_dim3A_862 : f32 to vector<3x224x224xf32>
    %mul3A_864 = arith.mulf %broadcast_in_dim3A_863, %sqrt3A_861 : vector<3x224x224xf32>
    %add3A_865 = arith.constant -0.00179744256 : f32
    %add3A_866 = vector.broadcast %add3A_865 : f32 to vector<3x224x224xf32>
    %add3A_867 = arith.addf %mul3A_864, %add3A_866 : vector<3x224x224xf32>
    %mul3A_868 = arith.mulf %add3A_867, %sqrt3A_861 : vector<3x224x224xf32>
    %add3A_869 = arith.constant 0.01615954 : f32
    %add3A_870 = vector.broadcast %add3A_869 : f32 to vector<3x224x224xf32>
    %add3A_871 = arith.addf %mul3A_868, %add3A_870 : vector<3x224x224xf32>
    %mul3A_872 = arith.mulf %add3A_871, %sqrt3A_861 : vector<3x224x224xf32>
    %add3A_873 = arith.constant -0.0718614161 : f32
    %add3A_874 = vector.broadcast %add3A_873 : f32 to vector<3x224x224xf32>
    %add3A_875 = arith.addf %mul3A_872, %add3A_874 : vector<3x224x224xf32>
    %mul3A_876 = arith.mulf %add3A_875, %sqrt3A_861 : vector<3x224x224xf32>
    %add3A_877 = arith.constant 0.157402381 : f32
    %add3A_878 = vector.broadcast %add3A_877 : f32 to vector<3x224x224xf32>
    %add3A_879 = arith.addf %mul3A_876, %add3A_878 : vector<3x224x224xf32>
    %mul3A_880 = arith.mulf %add3A_879, %sqrt3A_861 : vector<3x224x224xf32>
    %add3A_881 = arith.constant -0.162489876 : f32
    %add3A_882 = vector.broadcast %add3A_881 : f32 to vector<3x224x224xf32>
    %add3A_883 = arith.addf %mul3A_880, %add3A_882 : vector<3x224x224xf32>
    %mul3A_884 = arith.mulf %add3A_883, %sqrt3A_861 : vector<3x224x224xf32>
    %add3A_885 = arith.constant 0.314724475 : f32
    %add3A_886 = vector.broadcast %add3A_885 : f32 to vector<3x224x224xf32>
    %add3A_887 = arith.addf %mul3A_884, %add3A_886 : vector<3x224x224xf32>
    %mul3A_888 = arith.mulf %add3A_887, %sqrt3A_861 : vector<3x224x224xf32>
    %add3A_889 = arith.constant -0.0192525517 : f32
    %add3A_890 = vector.broadcast %add3A_889 : f32 to vector<3x224x224xf32>
    %add3A_891 = arith.addf %mul3A_888, %add3A_890 : vector<3x224x224xf32>
    %mul3A_892 = arith.mulf %add3A_891, %sqrt3A_861 : vector<3x224x224xf32>
    %add3A_893 = arith.constant 1.25433123 : f32
    %add3A_894 = vector.broadcast %add3A_893 : f32 to vector<3x224x224xf32>
    %add3A_895 = arith.addf %mul3A_892, %add3A_894 : vector<3x224x224xf32>
    %mul3A_896 = arith.mulf %add3A_895, %max3A_848 : vector<3x224x224xf32>
    %get3A_897 = arith.index_cast %arg0 : i32 to index
    %get3A_898 = arith.constant 2 : index
    %get3A_899 = memref.load %arg1[%get3A_897, %get3A_898] : memref<32x4xf32, #tpu.memory_space<smem>>
    %get3A_900 = arith.index_cast %arg0 : i32 to index
    %get3A_901 = arith.constant 2 : index
    %get3A_902 = memref.load %arg2[%get3A_900, %get3A_901] : memref<32x4xf32, #tpu.memory_space<smem>>
    %swap3A_903 = arith.constant 0 : index
    %swap3A_904 = arith.constant 2 : index
    %swap3A_905 = arith.constant 0 : index
    %swap3A_906 = arith.constant 0 : index
    %swap3A_907 = arith.constant 0 : index
    %swap3A_908 = vector.load %arg5[%swap3A_903, %swap3A_904, %swap3A_905, %swap3A_906, %swap3A_907] : memref<1x4x3x224x224xf32, #tpu.memory_space<vmem>>, vector<1x1x3x224x224xf32>
    %swap3A_909 = vector.shape_cast %swap3A_908 : vector<1x1x3x224x224xf32> to vector<3x224x224xf32>
    %swap3A_910 = vector.shape_cast %mul3A_896 : vector<3x224x224xf32> to vector<1x1x3x224x224xf32>
    tpu.vector_store %arg5[%swap3A_903, %swap3A_904, %swap3A_905, %swap3A_906, %swap3A_907], %swap3A_910 {strides = array<i32>} : memref<1x4x3x224x224xf32, #tpu.memory_space<vmem>>, vector<1x1x3x224x224xf32>,
    %mul3A_911 = vector.broadcast %get3A_899 : f32 to vector<3x224x224xf32>
    %mul3A_912 = arith.mulf %mul3A_911, %get3A_4 : vector<3x224x224xf32>
    %mul3A_913 = vector.broadcast %get3A_902 : f32 to vector<3x224x224xf32>
    %mul3A_914 = arith.mulf %mul3A_896, %mul3A_913 : vector<3x224x224xf32>
    %add3A_915 = arith.addf %mul3A_912, %mul3A_914 : vector<3x224x224xf32>
    %swap3A_916 = arith.constant 0 : index
    %swap3A_917 = arith.constant 2 : index
    %swap3A_918 = arith.constant 0 : index
    %swap3A_919 = arith.constant 0 : index
    %swap3A_920 = arith.constant 0 : index
    %swap3A_921 = vector.load %arg4[%swap3A_916, %swap3A_917, %swap3A_918, %swap3A_919, %swap3A_920] : memref<1x4x3x224x224xf32, #tpu.memory_space<vmem>>, vector<1x1x3x224x224xf32>
    %swap3A_922 = vector.shape_cast %swap3A_921 : vector<1x1x3x224x224xf32> to vector<3x224x224xf32>
    %swap3A_923 = vector.shape_cast %add3A_915 : vector<3x224x224xf32> to vector<1x1x3x224x224xf32>
    tpu.vector_store %arg4[%swap3A_916, %swap3A_917, %swap3A_918, %swap3A_919, %swap3A_920], %swap3A_923 {strides = array<i32>} : memref<1x4x3x224x224xf32, #tpu.memory_space<vmem>>, vector<1x1x3x224x224xf32>,
    %mul3A_924 = arith.constant 4 : i32
    %mul3A_925 = arith.muli %arg0, %mul3A_924 : i32
    %add3A_926 = arith.constant 3 : i32
    %add3A_927 = arith.addi %mul3A_925, %add3A_926 : i32
    %mul3A_928 = arith.constant 150528 : i32
    %mul3A_929 = arith.muli %add3A_927, %mul3A_928 : i32
    %add3A_930 = arith.constant 1234 : i32
    %add3A_931 = arith.addi %mul3A_929, %add3A_930 : i32
    %add3A_932 = vector.broadcast %add3A_931 : i32 to vector<3x224x224xi32>
    %add3A_933 = arith.addi %add3A_932, %add3A_12 : vector<3x224x224xi32>
    %shift_left3A_934 = arith.constant 13 : i32
    %shift_left3A_935 = vector.broadcast %shift_left3A_934 : i32 to vector<3x224x224xi32>
    %shift_left3A_936 = arith.shli %add3A_933, %shift_left3A_935 : vector<3x224x224xi32>
    %shift_right_logical3A_937 = arith.constant 19 : i32
    %shift_right_logical3A_938 = vector.broadcast %shift_right_logical3A_937 : i32 to vector<3x224x224xi32>
    %shift_right_logical3A_939 = arith.shrui %add3A_933, %shift_right_logical3A_938 : vector<3x224x224xi32>
    %or3A_940 = arith.ori %shift_left3A_936, %shift_right_logical3A_939 : vector<3x224x224xi32>
    %xor3A_941 = arith.xori %or3A_940, %add3A_933 : vector<3x224x224xi32>
    %add3A_942 = arith.addi %add3A_933, %xor3A_941 : vector<3x224x224xi32>
    %shift_left3A_943 = arith.constant 15 : i32
    %shift_left3A_944 = vector.broadcast %shift_left3A_943 : i32 to vector<3x224x224xi32>
    %shift_left3A_945 = arith.shli %xor3A_941, %shift_left3A_944 : vector<3x224x224xi32>
    %shift_right_logical3A_946 = arith.constant 17 : i32
    %shift_right_logical3A_947 = vector.broadcast %shift_right_logical3A_946 : i32 to vector<3x224x224xi32>
    %shift_right_logical3A_948 = arith.shrui %xor3A_941, %shift_right_logical3A_947 : vector<3x224x224xi32>
    %or3A_949 = arith.ori %shift_left3A_945, %shift_right_logical3A_948 : vector<3x224x224xi32>
    %xor3A_950 = arith.xori %or3A_949, %add3A_942 : vector<3x224x224xi32>
    %add3A_951 = arith.addi %add3A_942, %xor3A_950 : vector<3x224x224xi32>
    %shift_left3A_952 = arith.constant 26 : i32
    %shift_left3A_953 = vector.broadcast %shift_left3A_952 : i32 to vector<3x224x224xi32>
    %shift_left3A_954 = arith.shli %xor3A_950, %shift_left3A_953 : vector<3x224x224xi32>
    %shift_right_logical3A_955 = arith.constant 6 : i32
    %shift_right_logical3A_956 = vector.broadcast %shift_right_logical3A_955 : i32 to vector<3x224x224xi32>
    %shift_right_logical3A_957 = arith.shrui %xor3A_950, %shift_right_logical3A_956 : vector<3x224x224xi32>
    %or3A_958 = arith.ori %shift_left3A_954, %shift_right_logical3A_957 : vector<3x224x224xi32>
    %xor3A_959 = arith.xori %or3A_958, %add3A_951 : vector<3x224x224xi32>
    %add3A_960 = arith.addi %add3A_951, %xor3A_959 : vector<3x224x224xi32>
    %shift_left3A_961 = arith.constant 6 : i32
    %shift_left3A_962 = vector.broadcast %shift_left3A_961 : i32 to vector<3x224x224xi32>
    %shift_left3A_963 = arith.shli %xor3A_959, %shift_left3A_962 : vector<3x224x224xi32>
    %shift_right_logical3A_964 = arith.constant 26 : i32
    %shift_right_logical3A_965 = vector.broadcast %shift_right_logical3A_964 : i32 to vector<3x224x224xi32>
    %shift_right_logical3A_966 = arith.shrui %xor3A_959, %shift_right_logical3A_965 : vector<3x224x224xi32>
    %or3A_967 = arith.ori %shift_left3A_963, %shift_right_logical3A_966 : vector<3x224x224xi32>
    %xor3A_968 = arith.xori %or3A_967, %add3A_960 : vector<3x224x224xi32>
    %add3A_969 = arith.constant 1234 : i32
    %add3A_970 = vector.broadcast %add3A_969 : i32 to vector<3x224x224xi32>
    %add3A_971 = arith.addi %add3A_960, %add3A_970 : vector<3x224x224xi32>
    %add3A_972 = arith.constant 466689801 : i32
    %add3A_973 = vector.broadcast %add3A_972 : i32 to vector<3x224x224xi32>
    %add3A_974 = arith.addi %xor3A_968, %add3A_973 : vector<3x224x224xi32>
    %add3A_975 = arith.addi %add3A_971, %add3A_974 : vector<3x224x224xi32>
    %shift_left3A_976 = arith.constant 17 : i32
    %shift_left3A_977 = vector.broadcast %shift_left3A_976 : i32 to vector<3x224x224xi32>
    %shift_left3A_978 = arith.shli %add3A_974, %shift_left3A_977 : vector<3x224x224xi32>
    %shift_right_logical3A_979 = arith.constant 15 : i32
    %shift_right_logical3A_980 = vector.broadcast %shift_right_logical3A_979 : i32 to vector<3x224x224xi32>
    %shift_right_logical3A_981 = arith.shrui %add3A_974, %shift_right_logical3A_980 : vector<3x224x224xi32>
    %or3A_982 = arith.ori %shift_left3A_978, %shift_right_logical3A_981 : vector<3x224x224xi32>
    %xor3A_983 = arith.xori %or3A_982, %add3A_975 : vector<3x224x224xi32>
    %add3A_984 = arith.addi %add3A_975, %xor3A_983 : vector<3x224x224xi32>
    %shift_left3A_985 = arith.constant 29 : i32
    %shift_left3A_986 = vector.broadcast %shift_left3A_985 : i32 to vector<3x224x224xi32>
    %shift_left3A_987 = arith.shli %xor3A_983, %shift_left3A_986 : vector<3x224x224xi32>
    %shift_right_logical3A_988 = arith.constant 3 : i32
    %shift_right_logical3A_989 = vector.broadcast %shift_right_logical3A_988 : i32 to vector<3x224x224xi32>
    %shift_right_logical3A_990 = arith.shrui %xor3A_983, %shift_right_logical3A_989 : vector<3x224x224xi32>
    %or3A_991 = arith.ori %shift_left3A_987, %shift_right_logical3A_990 : vector<3x224x224xi32>
    %xor3A_992 = arith.xori %or3A_991, %add3A_984 : vector<3x224x224xi32>
    %add3A_993 = arith.addi %add3A_984, %xor3A_992 : vector<3x224x224xi32>
    %shift_left3A_994 = arith.constant 16 : i32
    %shift_left3A_995 = vector.broadcast %shift_left3A_994 : i32 to vector<3x224x224xi32>
    %shift_left3A_996 = arith.shli %xor3A_992, %shift_left3A_995 : vector<3x224x224xi32>
    %shift_right_logical3A_997 = arith.constant 16 : i32
    %shift_right_logical3A_998 = vector.broadcast %shift_right_logical3A_997 : i32 to vector<3x224x224xi32>
    %shift_right_logical3A_999 = arith.shrui %xor3A_992, %shift_right_logical3A_998 : vector<3x224x224xi32>
    %or3A_1000 = arith.ori %shift_left3A_996, %shift_right_logical3A_999 : vector<3x224x224xi32>
    %xor3A_1001 = arith.xori %or3A_1000, %add3A_993 : vector<3x224x224xi32>
    %add3A_1002 = arith.addi %add3A_993, %xor3A_1001 : vector<3x224x224xi32>
    %shift_left3A_1003 = arith.constant 24 : i32
    %shift_left3A_1004 = vector.broadcast %shift_left3A_1003 : i32 to vector<3x224x224xi32>
    %shift_left3A_1005 = arith.shli %xor3A_1001, %shift_left3A_1004 : vector<3x224x224xi32>
    %shift_right_logical3A_1006 = arith.constant 8 : i32
    %shift_right_logical3A_1007 = vector.broadcast %shift_right_logical3A_1006 : i32 to vector<3x224x224xi32>
    %shift_right_logical3A_1008 = arith.shrui %xor3A_1001, %shift_right_logical3A_1007 : vector<3x224x224xi32>
    %or3A_1009 = arith.ori %shift_left3A_1005, %shift_right_logical3A_1008 : vector<3x224x224xi32>
    %xor3A_1010 = arith.xori %or3A_1009, %add3A_1002 : vector<3x224x224xi32>
    %add3A_1011 = arith.constant 466689800 : i32
    %add3A_1012 = vector.broadcast %add3A_1011 : i32 to vector<3x224x224xi32>
    %add3A_1013 = arith.addi %add3A_1002, %add3A_1012 : vector<3x224x224xi32>
    %add3A_1014 = arith.constant 2 : i32
    %add3A_1015 = vector.broadcast %add3A_1014 : i32 to vector<3x224x224xi32>
    %add3A_1016 = arith.addi %xor3A_1010, %add3A_1015 : vector<3x224x224xi32>
    %add3A_1017 = arith.addi %add3A_1013, %add3A_1016 : vector<3x224x224xi32>
    %shift_left3A_1018 = arith.constant 13 : i32
    %shift_left3A_1019 = vector.broadcast %shift_left3A_1018 : i32 to vector<3x224x224xi32>
    %shift_left3A_1020 = arith.shli %add3A_1016, %shift_left3A_1019 : vector<3x224x224xi32>
    %shift_right_logical3A_1021 = arith.constant 19 : i32
    %shift_right_logical3A_1022 = vector.broadcast %shift_right_logical3A_1021 : i32 to vector<3x224x224xi32>
    %shift_right_logical3A_1023 = arith.shrui %add3A_1016, %shift_right_logical3A_1022 : vector<3x224x224xi32>
    %or3A_1024 = arith.ori %shift_left3A_1020, %shift_right_logical3A_1023 : vector<3x224x224xi32>
    %xor3A_1025 = arith.xori %or3A_1024, %add3A_1017 : vector<3x224x224xi32>
    %add3A_1026 = arith.addi %add3A_1017, %xor3A_1025 : vector<3x224x224xi32>
    %shift_left3A_1027 = arith.constant 15 : i32
    %shift_left3A_1028 = vector.broadcast %shift_left3A_1027 : i32 to vector<3x224x224xi32>
    %shift_left3A_1029 = arith.shli %xor3A_1025, %shift_left3A_1028 : vector<3x224x224xi32>
    %shift_right_logical3A_1030 = arith.constant 17 : i32
    %shift_right_logical3A_1031 = vector.broadcast %shift_right_logical3A_1030 : i32 to vector<3x224x224xi32>
    %shift_right_logical3A_1032 = arith.shrui %xor3A_1025, %shift_right_logical3A_1031 : vector<3x224x224xi32>
    %or3A_1033 = arith.ori %shift_left3A_1029, %shift_right_logical3A_1032 : vector<3x224x224xi32>
    %xor3A_1034 = arith.xori %or3A_1033, %add3A_1026 : vector<3x224x224xi32>
    %add3A_1035 = arith.addi %add3A_1026, %xor3A_1034 : vector<3x224x224xi32>
    %shift_left3A_1036 = arith.constant 26 : i32
    %shift_left3A_1037 = vector.broadcast %shift_left3A_1036 : i32 to vector<3x224x224xi32>
    %shift_left3A_1038 = arith.shli %xor3A_1034, %shift_left3A_1037 : vector<3x224x224xi32>
    %shift_right_logical3A_1039 = arith.constant 6 : i32
    %shift_right_logical3A_1040 = vector.broadcast %shift_right_logical3A_1039 : i32 to vector<3x224x224xi32>
    %shift_right_logical3A_1041 = arith.shrui %xor3A_1034, %shift_right_logical3A_1040 : vector<3x224x224xi32>
    %or3A_1042 = arith.ori %shift_left3A_1038, %shift_right_logical3A_1041 : vector<3x224x224xi32>
    %xor3A_1043 = arith.xori %or3A_1042, %add3A_1035 : vector<3x224x224xi32>
    %add3A_1044 = arith.addi %add3A_1035, %xor3A_1043 : vector<3x224x224xi32>
    %shift_left3A_1045 = arith.constant 6 : i32
    %shift_left3A_1046 = vector.broadcast %shift_left3A_1045 : i32 to vector<3x224x224xi32>
    %shift_left3A_1047 = arith.shli %xor3A_1043, %shift_left3A_1046 : vector<3x224x224xi32>
    %shift_right_logical3A_1048 = arith.constant 26 : i32
    %shift_right_logical3A_1049 = vector.broadcast %shift_right_logical3A_1048 : i32 to vector<3x224x224xi32>
    %shift_right_logical3A_1050 = arith.shrui %xor3A_1043, %shift_right_logical3A_1049 : vector<3x224x224xi32>
    %or3A_1051 = arith.ori %shift_left3A_1047, %shift_right_logical3A_1050 : vector<3x224x224xi32>
    %xor3A_1052 = arith.xori %or3A_1051, %add3A_1044 : vector<3x224x224xi32>
    %add3A_1053 = arith.constant 0 : i32
    %add3A_1054 = vector.broadcast %add3A_1053 : i32 to vector<3x224x224xi32>
    %add3A_1055 = arith.addi %add3A_1044, %add3A_1054 : vector<3x224x224xi32>
    %add3A_1056 = arith.constant 1237 : i32
    %add3A_1057 = vector.broadcast %add3A_1056 : i32 to vector<3x224x224xi32>
    %add3A_1058 = arith.addi %xor3A_1052, %add3A_1057 : vector<3x224x224xi32>
    %add3A_1059 = arith.addi %add3A_1055, %add3A_1058 : vector<3x224x224xi32>
    %shift_left3A_1060 = arith.constant 17 : i32
    %shift_left3A_1061 = vector.broadcast %shift_left3A_1060 : i32 to vector<3x224x224xi32>
    %shift_left3A_1062 = arith.shli %add3A_1058, %shift_left3A_1061 : vector<3x224x224xi32>
    %shift_right_logical3A_1063 = arith.constant 15 : i32
    %shift_right_logical3A_1064 = vector.broadcast %shift_right_logical3A_1063 : i32 to vector<3x224x224xi32>
    %shift_right_logical3A_1065 = arith.shrui %add3A_1058, %shift_right_logical3A_1064 : vector<3x224x224xi32>
    %or3A_1066 = arith.ori %shift_left3A_1062, %shift_right_logical3A_1065 : vector<3x224x224xi32>
    %xor3A_1067 = arith.xori %or3A_1066, %add3A_1059 : vector<3x224x224xi32>
    %add3A_1068 = arith.addi %add3A_1059, %xor3A_1067 : vector<3x224x224xi32>
    %shift_left3A_1069 = arith.constant 29 : i32
    %shift_left3A_1070 = vector.broadcast %shift_left3A_1069 : i32 to vector<3x224x224xi32>
    %shift_left3A_1071 = arith.shli %xor3A_1067, %shift_left3A_1070 : vector<3x224x224xi32>
    %shift_right_logical3A_1072 = arith.constant 3 : i32
    %shift_right_logical3A_1073 = vector.broadcast %shift_right_logical3A_1072 : i32 to vector<3x224x224xi32>
    %shift_right_logical3A_1074 = arith.shrui %xor3A_1067, %shift_right_logical3A_1073 : vector<3x224x224xi32>
    %or3A_1075 = arith.ori %shift_left3A_1071, %shift_right_logical3A_1074 : vector<3x224x224xi32>
    %xor3A_1076 = arith.xori %or3A_1075, %add3A_1068 : vector<3x224x224xi32>
    %add3A_1077 = arith.addi %add3A_1068, %xor3A_1076 : vector<3x224x224xi32>
    %shift_left3A_1078 = arith.constant 16 : i32
    %shift_left3A_1079 = vector.broadcast %shift_left3A_1078 : i32 to vector<3x224x224xi32>
    %shift_left3A_1080 = arith.shli %xor3A_1076, %shift_left3A_1079 : vector<3x224x224xi32>
    %shift_right_logical3A_1081 = arith.constant 16 : i32
    %shift_right_logical3A_1082 = vector.broadcast %shift_right_logical3A_1081 : i32 to vector<3x224x224xi32>
    %shift_right_logical3A_1083 = arith.shrui %xor3A_1076, %shift_right_logical3A_1082 : vector<3x224x224xi32>
    %or3A_1084 = arith.ori %shift_left3A_1080, %shift_right_logical3A_1083 : vector<3x224x224xi32>
    %xor3A_1085 = arith.xori %or3A_1084, %add3A_1077 : vector<3x224x224xi32>
    %add3A_1086 = arith.addi %add3A_1077, %xor3A_1085 : vector<3x224x224xi32>
    %shift_left3A_1087 = arith.constant 24 : i32
    %shift_left3A_1088 = vector.broadcast %shift_left3A_1087 : i32 to vector<3x224x224xi32>
    %shift_left3A_1089 = arith.shli %xor3A_1085, %shift_left3A_1088 : vector<3x224x224xi32>
    %shift_right_logical3A_1090 = arith.constant 8 : i32
    %shift_right_logical3A_1091 = vector.broadcast %shift_right_logical3A_1090 : i32 to vector<3x224x224xi32>
    %shift_right_logical3A_1092 = arith.shrui %xor3A_1085, %shift_right_logical3A_1091 : vector<3x224x224xi32>
    %or3A_1093 = arith.ori %shift_left3A_1089, %shift_right_logical3A_1092 : vector<3x224x224xi32>
    %xor3A_1094 = arith.xori %or3A_1093, %add3A_1086 : vector<3x224x224xi32>
    %add3A_1095 = arith.constant 1234 : i32
    %add3A_1096 = vector.broadcast %add3A_1095 : i32 to vector<3x224x224xi32>
    %add3A_1097 = arith.addi %add3A_1086, %add3A_1096 : vector<3x224x224xi32>
    %add3A_1098 = arith.constant 466689804 : i32
    %add3A_1099 = vector.broadcast %add3A_1098 : i32 to vector<3x224x224xi32>
    %add3A_1100 = arith.addi %xor3A_1094, %add3A_1099 : vector<3x224x224xi32>
    %add3A_1101 = arith.addi %add3A_1097, %add3A_1100 : vector<3x224x224xi32>
    %shift_left3A_1102 = arith.constant 13 : i32
    %shift_left3A_1103 = vector.broadcast %shift_left3A_1102 : i32 to vector<3x224x224xi32>
    %shift_left3A_1104 = arith.shli %add3A_1100, %shift_left3A_1103 : vector<3x224x224xi32>
    %shift_right_logical3A_1105 = arith.constant 19 : i32
    %shift_right_logical3A_1106 = vector.broadcast %shift_right_logical3A_1105 : i32 to vector<3x224x224xi32>
    %shift_right_logical3A_1107 = arith.shrui %add3A_1100, %shift_right_logical3A_1106 : vector<3x224x224xi32>
    %or3A_1108 = arith.ori %shift_left3A_1104, %shift_right_logical3A_1107 : vector<3x224x224xi32>
    %xor3A_1109 = arith.xori %or3A_1108, %add3A_1101 : vector<3x224x224xi32>
    %add3A_1110 = arith.addi %add3A_1101, %xor3A_1109 : vector<3x224x224xi32>
    %shift_left3A_1111 = arith.constant 15 : i32
    %shift_left3A_1112 = vector.broadcast %shift_left3A_1111 : i32 to vector<3x224x224xi32>
    %shift_left3A_1113 = arith.shli %xor3A_1109, %shift_left3A_1112 : vector<3x224x224xi32>
    %shift_right_logical3A_1114 = arith.constant 17 : i32
    %shift_right_logical3A_1115 = vector.broadcast %shift_right_logical3A_1114 : i32 to vector<3x224x224xi32>
    %shift_right_logical3A_1116 = arith.shrui %xor3A_1109, %shift_right_logical3A_1115 : vector<3x224x224xi32>
    %or3A_1117 = arith.ori %shift_left3A_1113, %shift_right_logical3A_1116 : vector<3x224x224xi32>
    %xor3A_1118 = arith.xori %or3A_1117, %add3A_1110 : vector<3x224x224xi32>
    %add3A_1119 = arith.addi %add3A_1110, %xor3A_1118 : vector<3x224x224xi32>
    %shift_left3A_1120 = arith.constant 26 : i32
    %shift_left3A_1121 = vector.broadcast %shift_left3A_1120 : i32 to vector<3x224x224xi32>
    %shift_left3A_1122 = arith.shli %xor3A_1118, %shift_left3A_1121 : vector<3x224x224xi32>
    %shift_right_logical3A_1123 = arith.constant 6 : i32
    %shift_right_logical3A_1124 = vector.broadcast %shift_right_logical3A_1123 : i32 to vector<3x224x224xi32>
    %shift_right_logical3A_1125 = arith.shrui %xor3A_1118, %shift_right_logical3A_1124 : vector<3x224x224xi32>
    %or3A_1126 = arith.ori %shift_left3A_1122, %shift_right_logical3A_1125 : vector<3x224x224xi32>
    %xor3A_1127 = arith.xori %or3A_1126, %add3A_1119 : vector<3x224x224xi32>
    %add3A_1128 = arith.addi %add3A_1119, %xor3A_1127 : vector<3x224x224xi32>
    %shift_left3A_1129 = arith.constant 6 : i32
    %shift_left3A_1130 = vector.broadcast %shift_left3A_1129 : i32 to vector<3x224x224xi32>
    %shift_left3A_1131 = arith.shli %xor3A_1127, %shift_left3A_1130 : vector<3x224x224xi32>
    %shift_right_logical3A_1132 = arith.constant 26 : i32
    %shift_right_logical3A_1133 = vector.broadcast %shift_right_logical3A_1132 : i32 to vector<3x224x224xi32>
    %shift_right_logical3A_1134 = arith.shrui %xor3A_1127, %shift_right_logical3A_1133 : vector<3x224x224xi32>
    %or3A_1135 = arith.ori %shift_left3A_1131, %shift_right_logical3A_1134 : vector<3x224x224xi32>
    %xor3A_1136 = arith.xori %or3A_1135, %add3A_1128 : vector<3x224x224xi32>
    %add3A_1137 = arith.constant 466689800 : i32
    %add3A_1138 = vector.broadcast %add3A_1137 : i32 to vector<3x224x224xi32>
    %add3A_1139 = arith.addi %add3A_1128, %add3A_1138 : vector<3x224x224xi32>
    %add3A_1140 = arith.constant 5 : i32
    %add3A_1141 = vector.broadcast %add3A_1140 : i32 to vector<3x224x224xi32>
    %add3A_1142 = arith.addi %xor3A_1136, %add3A_1141 : vector<3x224x224xi32>
    %xor3A_1143 = arith.xori %add3A_1139, %add3A_1142 : vector<3x224x224xi32>
    %shift_right_logical3A_1144 = arith.constant 9 : i32
    %shift_right_logical3A_1145 = vector.broadcast %shift_right_logical3A_1144 : i32 to vector<3x224x224xi32>
    %shift_right_logical3A_1146 = arith.shrui %xor3A_1143, %shift_right_logical3A_1145 : vector<3x224x224xi32>
    %or3A_1147 = arith.constant 1073741824 : i32
    %or3A_1148 = vector.broadcast %or3A_1147 : i32 to vector<3x224x224xi32>
    %or3A_1149 = arith.ori %shift_right_logical3A_1146, %or3A_1148 : vector<3x224x224xi32>
    %bitcast_convert_type3A_1150 = tpu.bitcast %or3A_1149 : vector<3x224x224xi32> -> vector<3x224x224xf32>
    %sub3A_1151 = arith.constant 3.000000e+00 : f32
    %sub3A_1152 = vector.broadcast %sub3A_1151 : f32 to vector<3x224x224xf32>
    %sub3A_1153 = arith.subf %bitcast_convert_type3A_1150, %sub3A_1152 : vector<3x224x224xf32>
    %max3A_1154 = arith.constant -0.99999994 : f32
    %max3A_1155 = vector.broadcast %max3A_1154 : f32 to vector<3x224x224xf32>
    %max3A_1156 = arith.maximumf %max3A_1155, %sub3A_1153 : vector<3x224x224xf32>
    %mul3A_1157 = arith.mulf %max3A_1156, %max3A_1156 : vector<3x224x224xf32>
    %sub3A_1158 = arith.constant 1.000000e+00 : f32
    %sub3A_1159 = vector.broadcast %sub3A_1158 : f32 to vector<3x224x224xf32>
    %sub3A_1160 = arith.subf %sub3A_1159, %mul3A_1157 : vector<3x224x224xf32>
    %log3A_1161 = math.log %sub3A_1160 : vector<3x224x224xf32>
    %log3A_1162 = arith.constant 2.000000e+00 : f32
    %log3A_1163 = math.log %log3A_1162 : f32
    %div3A_1164 = vector.broadcast %log3A_1163 : f32 to vector<3x224x224xf32>
    %div3A_1165 = arith.divf %log3A_1161, %div3A_1164 : vector<3x224x224xf32>
    %neg3A_1166 = arith.constant 0.000000e+00 : f32
    %neg3A_1167 = vector.broadcast %neg3A_1166 : f32 to vector<3x224x224xf32>
    %neg3A_1168 = arith.subf %neg3A_1167, %div3A_1165 : vector<3x224x224xf32>
    %sqrt3A_1169 = math.sqrt %neg3A_1168 : vector<3x224x224xf32>
    %broadcast_in_dim3A_1170 = arith.constant 7.95371597E-5 : f32
    %broadcast_in_dim3A_1171 = vector.broadcast %broadcast_in_dim3A_1170 : f32 to vector<3x224x224xf32>
    %mul3A_1172 = arith.mulf %broadcast_in_dim3A_1171, %sqrt3A_1169 : vector<3x224x224xf32>
    %add3A_1173 = arith.constant -0.00179744256 : f32
    %add3A_1174 = vector.broadcast %add3A_1173 : f32 to vector<3x224x224xf32>
    %add3A_1175 = arith.addf %mul3A_1172, %add3A_1174 : vector<3x224x224xf32>
    %mul3A_1176 = arith.mulf %add3A_1175, %sqrt3A_1169 : vector<3x224x224xf32>
    %add3A_1177 = arith.constant 0.01615954 : f32
    %add3A_1178 = vector.broadcast %add3A_1177 : f32 to vector<3x224x224xf32>
    %add3A_1179 = arith.addf %mul3A_1176, %add3A_1178 : vector<3x224x224xf32>
    %mul3A_1180 = arith.mulf %add3A_1179, %sqrt3A_1169 : vector<3x224x224xf32>
    %add3A_1181 = arith.constant -0.0718614161 : f32
    %add3A_1182 = vector.broadcast %add3A_1181 : f32 to vector<3x224x224xf32>
    %add3A_1183 = arith.addf %mul3A_1180, %add3A_1182 : vector<3x224x224xf32>
    %mul3A_1184 = arith.mulf %add3A_1183, %sqrt3A_1169 : vector<3x224x224xf32>
    %add3A_1185 = arith.constant 0.157402381 : f32
    %add3A_1186 = vector.broadcast %add3A_1185 : f32 to vector<3x224x224xf32>
    %add3A_1187 = arith.addf %mul3A_1184, %add3A_1186 : vector<3x224x224xf32>
    %mul3A_1188 = arith.mulf %add3A_1187, %sqrt3A_1169 : vector<3x224x224xf32>
    %add3A_1189 = arith.constant -0.162489876 : f32
    %add3A_1190 = vector.broadcast %add3A_1189 : f32 to vector<3x224x224xf32>
    %add3A_1191 = arith.addf %mul3A_1188, %add3A_1190 : vector<3x224x224xf32>
    %mul3A_1192 = arith.mulf %add3A_1191, %sqrt3A_1169 : vector<3x224x224xf32>
    %add3A_1193 = arith.constant 0.314724475 : f32
    %add3A_1194 = vector.broadcast %add3A_1193 : f32 to vector<3x224x224xf32>
    %add3A_1195 = arith.addf %mul3A_1192, %add3A_1194 : vector<3x224x224xf32>
    %mul3A_1196 = arith.mulf %add3A_1195, %sqrt3A_1169 : vector<3x224x224xf32>
    %add3A_1197 = arith.constant -0.0192525517 : f32
    %add3A_1198 = vector.broadcast %add3A_1197 : f32 to vector<3x224x224xf32>
    %add3A_1199 = arith.addf %mul3A_1196, %add3A_1198 : vector<3x224x224xf32>
    %mul3A_1200 = arith.mulf %add3A_1199, %sqrt3A_1169 : vector<3x224x224xf32>
    %add3A_1201 = arith.constant 1.25433123 : f32
    %add3A_1202 = vector.broadcast %add3A_1201 : f32 to vector<3x224x224xf32>
    %add3A_1203 = arith.addf %mul3A_1200, %add3A_1202 : vector<3x224x224xf32>
    %mul3A_1204 = arith.mulf %add3A_1203, %max3A_1156 : vector<3x224x224xf32>
    %get3A_1205 = arith.index_cast %arg0 : i32 to index
    %get3A_1206 = arith.constant 3 : index
    %get3A_1207 = memref.load %arg1[%get3A_1205, %get3A_1206] : memref<32x4xf32, #tpu.memory_space<smem>>
    %get3A_1208 = arith.index_cast %arg0 : i32 to index
    %get3A_1209 = arith.constant 3 : index
    %get3A_1210 = memref.load %arg2[%get3A_1208, %get3A_1209] : memref<32x4xf32, #tpu.memory_space<smem>>
    %swap3A_1211 = arith.constant 0 : index
    %swap3A_1212 = arith.constant 3 : index
    %swap3A_1213 = arith.constant 0 : index
    %swap3A_1214 = arith.constant 0 : index
    %swap3A_1215 = arith.constant 0 : index
    %swap3A_1216 = vector.load %arg5[%swap3A_1211, %swap3A_1212, %swap3A_1213, %swap3A_1214, %swap3A_1215] : memref<1x4x3x224x224xf32, #tpu.memory_space<vmem>>, vector<1x1x3x224x224xf32>
    %swap3A_1217 = vector.shape_cast %swap3A_1216 : vector<1x1x3x224x224xf32> to vector<3x224x224xf32>
    %swap3A_1218 = vector.shape_cast %mul3A_1204 : vector<3x224x224xf32> to vector<1x1x3x224x224xf32>
    tpu.vector_store %arg5[%swap3A_1211, %swap3A_1212, %swap3A_1213, %swap3A_1214, %swap3A_1215], %swap3A_1218 {strides = array<i32>} : memref<1x4x3x224x224xf32, #tpu.memory_space<vmem>>, vector<1x1x3x224x224xf32>,
    %mul3A_1219 = vector.broadcast %get3A_1207 : f32 to vector<3x224x224xf32>
    %mul3A_1220 = arith.mulf %mul3A_1219, %get3A_4 : vector<3x224x224xf32>
    %mul3A_1221 = vector.broadcast %get3A_1210 : f32 to vector<3x224x224xf32>
    %mul3A_1222 = arith.mulf %mul3A_1204, %mul3A_1221 : vector<3x224x224xf32>
    %add3A_1223 = arith.addf %mul3A_1220, %mul3A_1222 : vector<3x224x224xf32>
    %swap3A_1224 = arith.constant 0 : index
    %swap3A_1225 = arith.constant 3 : index
    %swap3A_1226 = arith.constant 0 : index
    %swap3A_1227 = arith.constant 0 : index
    %swap3A_1228 = arith.constant 0 : index
    %swap3A_1229 = vector.load %arg4[%swap3A_1224, %swap3A_1225, %swap3A_1226, %swap3A_1227, %swap3A_1228] : memref<1x4x3x224x224xf32, #tpu.memory_space<vmem>>, vector<1x1x3x224x224xf32>
    %swap3A_1230 = vector.shape_cast %swap3A_1229 : vector<1x1x3x224x224xf32> to vector<3x224x224xf32>
    %swap3A_1231 = vector.shape_cast %add3A_1223 : vector<3x224x224xf32> to vector<1x1x3x224x224xf32>
    tpu.vector_store %arg4[%swap3A_1224, %swap3A_1225, %swap3A_1226, %swap3A_1227, %swap3A_1228], %swap3A_1231 {strides = array<i32>} : memref<1x4x3x224x224xf32, #tpu.memory_space<vmem>>, vector<1x1x3x224x224xf32>,
    return
  }
  func.func @transform_0(%arg0: i32) -> (i32, i32) {
    %c0_i32 = arith.constant 0 : i32
    %c0_i32_0 = arith.constant 0 : i32
    %c0_i32_1 = arith.constant 0 : i32
    return %c0_i32, %c0_i32_0 : i32, i32
  }
  func.func @transform_1(%arg0: i32) -> (i32, i32) {
    %c0_i32 = arith.constant 0 : i32
    %c0_i32_0 = arith.constant 0 : i32
    %c0_i32_1 = arith.constant 0 : i32
    return %c0_i32, %c0_i32_0 : i32, i32
  }
  func.func @transform_2(%arg0: i32) -> (i32, i32, i32, i32) {
    %c0_i32 = arith.constant 0 : i32
    %c0_i32_0 = arith.constant 0 : i32
    %c0_i32_1 = arith.constant 0 : i32
    %c0_i32_2 = arith.constant 0 : i32
    return %arg0, %c0_i32, %c0_i32_0, %c0_i32_1 : i32, i32, i32, i32
  }
  func.func @transform_3(%arg0: i32) -> (i32, i32, i32, i32, i32) {
    %c0_i32 = arith.constant 0 : i32
    %c0_i32_0 = arith.constant 0 : i32
    %c0_i32_1 = arith.constant 0 : i32
    %c0_i32_2 = arith.constant 0 : i32
    %c0_i32_3 = arith.constant 0 : i32
    return %arg0, %c0_i32, %c0_i32_0, %c0_i32_1, %c0_i32_2 : i32, i32, i32, i32, i32
  }
  func.func @transform_4(%arg0: i32) -> (i32, i32, i32, i32, i32) {
    %c0_i32 = arith.constant 0 : i32
    %c0_i32_0 = arith.constant 0 : i32
    %c0_i32_1 = arith.constant 0 : i32
    %c0_i32_2 = arith.constant 0 : i32
    %c0_i32_3 = arith.constant 0 : i32
    return %arg0, %c0_i32, %c0_i32_0, %c0_i32_1, %c0_i32_2 : i32, i32, i32, i32, i32
  }
}

</mosaic_0001>

<sc_bundles>
// kernel: kernel.4.cloned.1.call-start
scs
__scs_entry_jumppad:
0x0: {  	(pc) =	sbr.rel $0x88, $3  }
0x1: {  	(tag) =	ssettag $0x0;
	lr =	simm.s32 $0x1  }
0x2: {  	[smem:$0x3F9D] =	sst lr;
	_ =	strace $0xD0000000  }
0x3: {  	_ = 	snop  }
0x4: {  	_ = 	snop  }
0x5: {  	_ = 	snop  }
0x6: {  	_ = 	snop  }
0x7: {  	_ = 	snop  }
__scs_overlays_trampoline_lowered:
0x8: {  	[smem:$0x3FAC] =	sst s0  }
0x9: {  	[smem:$0x3FAD] =	sst s1  }
0xa: {  	[smem:$0x3FAE] =	sst s2  }
0xb: {  	[smem:$0x3FAF] =	sst s3  }
0xc: {  	[smem:$0x3FB0] =	sst s4  }
0xd: {  	[smem:$0x3FB1] =	sst s5  }
0xe: {  	[smem:$0x3FB2] =	sst s6  }
0xf: {  	[smem:$0x3FB3] =	sst s7  }
0x10: {  	[smem:$0x3FB4] =	sst s8  }
0x11: {  	[smem:$0x3FB5] =	sst s9;
	s0 =	simm.s32 @!p0 $0x0  }
0x12: {  	s1 =	sld [smem:$0x3F9B];
	s0 =	simm.s32 @p0 $0x1  }
0x13: {  	[smem:$0x3FB6] =	sst s0;
	s0 =	simm.s32 @!p1 $0x0  }
0x14: {  	s2 =	sld [smem:$0x3F9A];
	s0 =	simm.s32 @p1 $0x1  }
0x15: {  	[smem:$0x3FB7] =	sst s0;
	s0 =	simm.s32 @!p2 $0x0  }
0x16: {  	s3 =	sld [smem:$0x3FDB];
	s0 =	simm.s32 @p2 $0x1  }
0x17: {  	s4 =	simm.s32 $0x1BF5;
	[smem:$0x3FB9] =	sst s0  }
0x18: {  	s0 =	sld [smem:$0x3F9C];
	_ =	swait.ge [sflag:s4], $0x0  }
0x19: {  	s7 =	sld [smem:$0x3F9D]  }
0x1a: {  	s8 =	sadd.s32 $0xFFFFE003, lr  }
0x1b: {  	s9 =	sadd.s32 $0xFFFFFEF7, lr;
	s5 =	simm.s32 $0xFFFFFFFF;
	p2 =	slt.u32 s8, $0xFFFFF086  }
0x1c: {  	p1 =	slt.u32 s9, $0xF7A;
	s5 =	simm.s32 @!p2 $0x0  }
0x1d: {  	s5 =	simm.s32 @p1 $0x1;
	p0 =	seq.s32 s7, s2  }
0x1e: {  	s7 =	smul.u32 @!p0 $0xF7A, s2;
	p2 =	seq.s32 @!p0 s5, $0x0  }
0x1f: {  	s9 =	smul.u32 $0xF7A, s1;
	s8 =	simm.s32 @!p0 $0x1BF5;
	p2 =	por !p2, p0  }
0x20: {  	[sflag:s8] =	ssyncset.s32 @!p0 $0xFFFFF086;
	s6 =	sadd.s32 @!p0 s3, s7;
	s7 =	simm.s32 @!p0 $0x108  }
0x21: {  	s3 =	sadd.s32 s3, s9;
	s6 =	sadd.s32 @!p0 $0x88, s6;
	s7 =	simm.s32 @p2 $0x1082  }
0x22: {  	[simem:s7], [sflag:s8] =	dma.local @!p0 [hbm:s6], $0xF7A  }
0x23: {  	s9 =	sor.u32 $0xD0000000, s2;
	s6 =	simm.s32 $0x108;
	_ =	swait.ge @!p0 [sflag:s8], $0x0  }
0x24: {  	s3 =	sadd.s32 $0x88, s3;
	s6 =	simm.s32 @!p1 $0x1082;
	[sflag:s4] =	ssyncset.s32 $0xFFFFF086  }
0x25: {  	[simem:s6], [sflag:s4] =	dma.local [hbm:s3], $0xF7A  }
0x26: {  	[smem:$0x3F9D] =	sst s1;
	(tag) =	ssettag s2;
	_ =	strace s9  }
0x27: {  	s1 =	sld [smem:$0x3FAD]  }
0x28: {  	s2 =	sld [smem:$0x3FAE]  }
0x29: {  	s4 =	sld [smem:$0x3FB0]  }
0x2a: {  	p0 =	seq.s32 s5, $0x0;
	s5 =	sld [smem:$0x3FB1]  }
0x2b: {  	s6 =	sld [smem:$0x3FB2]  }
0x2c: {  	s7 =	sld [smem:$0x3FB3]  }
0x2d: {  	s3 =	simm.s32 $0x108;
	s8 =	sld [smem:$0x3FB4]  }
0x2e: {  	s3 =	simm.s32 @!p0 $0x1082;
	s9 =	sld [smem:$0x3FB5]  }
0x2f: {  	lr =	sadd.s32 s0, s3;
	s0 =	sld [smem:$0x3FAC]  }
0x30: {  	s3 =	sld [smem:$0x3FAF]  }
0x31: {  	[smem:$0x3FB8] =	sst s10  }
0x32: {  	s10 =	sld [smem:$0x3FB6];
	_ =	sdelay $0x3  }
0x33: {  	p0 =	seq.s32 s10, $0x1;
	s10 =	sld [smem:$0x3FB8];
	_ =	sdelay $0x3  }
0x34: {  	[smem:$0x3FB8] =	sst s10  }
0x35: {  	s10 =	sld [smem:$0x3FB7];
	_ =	sdelay $0x3  }
0x36: {  	p1 =	seq.s32 s10, $0x1;
	s10 =	sld [smem:$0x3FB8];
	_ =	sdelay $0x3  }
0x37: {  	[smem:$0x3FB8] =	sst s10  }
0x38: {  	s10 =	sld [smem:$0x3FB9]  }
0x39: {  	_ = 	snop;
	(pc) =	sbr.ind lr, $3  }
0x3a: {  	_ = 	snop  }
0x3b: {  	_ = 	snop  }
0x3c: {  	p2 =	seq.s32 s10, $0x1;
	s10 =	sld [smem:$0x3FB8]  }
0x3d: {  	_ =	shalt  }
0x3e: {  	_ =	shalt  }
0x3f: {  	_ =	shalt  }
0x40: {  	_ =	shalt  }
0x41: {  	_ =	shalt  }
0x42: {  	_ =	shalt  }
0x43: {  	_ =	shalt  }
0x44: {  	_ =	shalt  }
0x45: {  	_ =	shalt  }
0x46: {  	_ =	shalt  }
0x47: {  	_ =	shalt  }
0x48: {  	_ =	shalt  }
0x49: {  	_ =	shalt  }
0x4a: {  	_ =	shalt  }
0x4b: {  	_ =	shalt  }
0x4c: {  	_ =	shalt  }
0x4d: {  	_ =	shalt  }
0x4e: {  	_ =	shalt  }
0x4f: {  	_ =	shalt  }
0x50: {  	_ =	shalt  }
0x51: {  	_ =	shalt  }
0x52: {  	_ =	shalt  }
0x53: {  	_ =	shalt  }
0x54: {  	_ =	shalt  }
0x55: {  	_ =	shalt  }
0x56: {  	_ =	shalt  }
0x57: {  	_ =	shalt  }
0x58: {  	_ =	shalt  }
0x59: {  	_ =	shalt  }
0x5a: {  	_ =	shalt  }
0x5b: {  	_ =	shalt  }
0x5c: {  	_ =	shalt  }
0x5d: {  	_ =	shalt  }
0x5e: {  	_ =	shalt  }
0x5f: {  	_ =	shalt  }
0x60: {  	_ =	shalt  }
0x61: {  	_ =	shalt  }
0x62: {  	_ =	shalt  }
0x63: {  	_ =	shalt  }
0x64: {  	_ =	shalt  }
0x65: {  	_ =	shalt  }
0x66: {  	_ =	shalt  }
0x67: {  	_ =	shalt  }
0x68: {  	_ =	shalt  }
0x69: {  	_ =	shalt  }
0x6a: {  	_ =	shalt  }
0x6b: {  	_ =	shalt  }
0x6c: {  	_ =	shalt  }
0x6d: {  	_ =	shalt  }
0x6e: {  	_ =	shalt  }
0x6f: {  	_ =	shalt  }
0x70: {  	_ =	shalt  }
0x71: {  	_ =	shalt  }
0x72: {  	_ =	shalt  }
0x73: {  	_ =	shalt  }
0x74: {  	_ =	shalt  }
0x75: {  	_ =	shalt  }
0x76: {  	_ =	shalt  }
0x77: {  	_ =	shalt  }
0x78: {  	_ =	shalt  }
0x79: {  	_ =	shalt  }
0x7a: {  	_ =	shalt  }
0x7b: {  	_ =	shalt  }
0x7c: {  	_ =	shalt  }
0x7d: {  	_ =	shalt  }
0x7e: {  	_ =	shalt  }
0x7f: {  	_ =	shalt  }
0x80: {  	_ =	shalt  }
0x81: {  	_ =	shalt  }
0x82: {  	_ =	shalt  }
0x83: {  	_ =	shalt  }
0x84: {  	_ =	shalt  }
0x85: {  	_ =	shalt  }
0x86: {  	_ =	shalt  }
0x87: {  	_ =	shalt  }
.Lfunc_end0:
.L_simem_size_0:
called_computation_lowered:
.L_overlay_start_0:
0x88: {  	s2 =	sld [smem:$0x3FD9]  }
0x89: {  	s3 =	sld [smem:$0x3FFE];
	_ =	sdelay $0x1  }
0x8a: {  	s1 =	srdreg.scid  }
0x8b: {  	s0 =	sand.u32 $0x1, s1  }
0x8c: {  	s14 =	sshll.u32 s0, $0xA;
	s2 =	sadd.s32 s3, s2  }
0x8d: {  	s2 =	sadd.s32 s2, s14  }
0x8e: {  	[smem:$0x3FC4] =	sst s2  }
0x8f: {  	_ = 	snop  }
0x90: {  	s2 =	sld [smem:$0x3FD0];
	_ =	sdelay $0x2  }
0x91: {  	s15 =	simm.s32 $0xA;
	s4 =	simm.s32 $0x10  }
0x92: {  	[smem:s4], [sflag:s15] =	dma.local [hbm:s2], $0x1  }
0x93: {  	_ =	swait.eq [sflag:s15], $0x1  }
0x94: {  	[sflag:s15] =	ssyncset.done $0x0  }
0x95: {  	s16 =	sld [smem:$0x10];
	[sflag:s15] =	ssyncadd.s32 $0xFFFFFFFF  }
0x96: {  	s17 =	sld [smem:$0x11];
	(tm) =	ssettm $0x1  }
0x97: {  	s18 =	sld [smem:$0x3FFB];
	_ =	sdelay $0x3  }
0x98: {  	_ =	strace s18  }
0x99: {  	s4 =	sld [smem:$0x3FFC];
	_ =	sdelay $0x3  }
0x9a: {  	_ =	strace s4  }
0x9b: {  	s4 =	sld [smem:$0x3FFD];
	_ =	sdelay $0x3  }
0x9c: {  	_ =	strace s4  }
0x9d: {  	_ =	strace $0x8FFFFFFF  }
0x9e: {  	s19 =	sld [smem:$0x3FDB];
	_ =	sdelay $0x1  }
0x9f: {  	s5 =	simm.s32 $_scs_section_size  }
0xa0: {  	s6 =	simm.s32 $_size__tile_overlayer_lowered;
	s7 =	simm.s32 $_tile_overlayer_lowered  }
0xa1: {  	s22 =	simm.s32 $0x1BFF;
	s21 =	sshll.u32 s7, $0x1;
	s4 =	sadd.s32 s5, s19  }
0xa2: {  	s8 =	simm.s32 $0x0;
	s20 =	sshll.u32 s6, $0x1;
	s6 =	sadd.s32 s21, s4  }
0xa3: {  	[timem:s8], [sflag:s22] =	dma.local [hbm:s6], s20  }
0xa4: {  	_ =	swait.ge [sflag:s22], s20  }
0xa5: {  	s5 =	ssub.s32 $0x0, s20;
	[sflag:s22] =	ssyncset.done $0x0  }
0xa6: {  	[sflag:s22] =	ssyncadd.s32 s5;
	_ =	sdelay $0x1  }
0xa7: {  	s23 =	simm.s32 $0x1B8B  }
0xa8: {  	_ =	swait.ge [sflag:s23], $0x1  }
0xa9: {  	[sflag:s23] =	ssyncset.done $0x0  }
0xaa: {  	s25 =	simm.s32 $0x1B8E;
	s24 =	sld [smem:$0x3FFE];
	[sflag:s23] =	ssyncadd.s32 $0xFFFFFFFF  }
0xab: {  	s26 =	simm.s32 $execute0_lowered;
	[smem:$0x3FD2] =	sst s25  }
0xac: {  	s6 =	sshll.u32 s26, $0x1;
	_ =	strace $0x80000046;
	[dreg:$0x1] =	wrdreg $0xFFFFFFFF  }
0xad: {  	s28 =	simm.s32 $_size_execute0_lowered;
	s4 =	sadd.s32 s4, s6;
	[dreg:$0x0] =	wrdreg $0x0  }
0xae: {  	s6 =	sshll.u32 s28, $0x1;
	[dreg:$0x2] =	wrdreg s4  }
0xaf: {  	[dreg:$0x3] =	wrdreg s6  }
0xb0: {  	[dreg:$0x4] =	wrdreg $0xC0  }
0xb1: {  	_ =	task [dreg:s8], $0x5FFFF  }
0xb2: {  	[dreg:$0x1] =	wrdreg $0xFFFFFFFF  }
0xb3: {  	[dreg:$0x0] =	wrdreg $0x60  }
0xb4: {  	[dreg:$0x2] =	wrdreg s17  }
0xb5: {  	[dreg:$0x3] =	wrdreg s24  }
0xb6: {  	[dreg:$0x4] =	wrdreg s16  }
0xb7: {  	[dreg:$0x5] =	wrdreg $0x9  }
0xb8: {  	_ =	task.clear_ibuf [dreg:s8], $0x6FFFF;
	_ =	strace $0x90000046  }
0xb9: {  	s29 =	simm.s32 $0x9;
	_ =	strace $0x80000048  }
0xba: {  	_ =	swait.ge [sflag:s29], $0x1  }
0xbb: {  	[sflag:s29] =	ssyncadd.s32 $0xFFFFFFFF  }
0xbc: {  	_ =	strace $0x90000048  }
0xbd: {  	_ =	sfence  }
0xbe: {  	s30 =	sld [smem:$0x0];
	_ =	sdelay $0x2  }
0xbf: {  	s31 =	sshll.u32 s1, $0xD;
	s1 =	sshrl.u32 s1, $0x2  }
0xc0: {  	s3 =	sand.u32 $0x4000, s31;
	s1 =	sadd.s32 s1, s30  }
0xc1: {  	s0 =	sor.u32 s3, s0;
	s1 =	sshll.u32 s1, $0x11  }
0xc2: {  	s0 =	sor.u32 s1, s0  }
0xc3: {  	s0 =	sadd.s32 $0x8F2B, s0  }
0xc4: {  	[sflag:s0] =	ssyncadd.remote.s32 $0x1  }
0xc5: {  	_ =	sfence.sel $0xFFFF  }
0xc6: {  	[dreg:$0x0] =	wrdreg $0xFFFFFFFF;
	(pc) =	sbr.abs _section_cstart, $3  }
0xc7: {  	[dreg:$0x1] =	wrdreg $0xFFFFFFFF  }
0xc8: {  	_ =	task.clear_ibuf [dreg:s8], $0x2FFFF;
	_ =	strace $0x9FFFFFFF  }
0xc9: {  	(tm) =	ssettm $0x7FFFFFFF  }
tec
execute0_lowered:
.L_overlay_start_1:
0x0: {  	(tag) =	ssettag $0x1  }
0x1: {  	s0 =	srdreg.scid  }
0x2: {  	s7 =	sand.u32 $0x1, s0;
	s0 =	stileid.u32  }
0x3: {  	s5 =	sshll.u32 s0, $0x1;
	s6 =	ssub.s32 $0x0, s7  }
0x4: {  	p0 =	sne.s32 s5, s6  }
.Ltmp0:
0x5: {  	_ = 	snop;
	(pc) =	sbr.rel @p0 .LBB2_4-.Ltmp0, $4  }
0x6: {  	s2 =	rddreg [dreg:$0x0]  }
0x7: {  	s3 =	rddreg [dreg:$0x1]  }
0x8: {  	s4 =	rddreg [dreg:$0x2]  }
0x9: {  	s1 =	rddreg [dreg:$0x3];
	_ =	strace $0x80000047  }
0xa: {  	s6 =	simm.s32 $0x0;
	s5 =	simm.s32 $0x2;
	s9 =	ssub.s32 $0x2, s7  }
0xb: {  	[tilespmem:s6], [sflag:$0x2] =	stream.linear.gather [hbm4b:s3+s6], $0x80, $0x38;
	[tilespmem:$0x4080] =	vst v63  }
0xc: {  	s10 =	sshrl.u32 s9, $0x1;
	_ =	swait.ge [sflag:s5], $0x80  }
0xd: {  	s7 =	simm.s32 $0x80;
	s9 =	ssub.s32 s9, s10;
	[sflag:s5] =	ssyncset.done $0x0  }
0xe: {  	s8 =	simm.s32 $0x1;
	s9 =	smax.u32 s9, $0x1;
	[sflag:s5] =	ssyncadd.s32 $0xFFFFFF80  }
0xf: {  	[tilespmem:s7], [sflag:$0x1] =	stream.indirect.gather [hbm4b:s2+s7], $0x80, s6, s7, $0xb8;
	[tilespmem:$0x4080] =	vst v63  }
0x10: {  	p0 =	sne.s32 s9, $0x1;
	_ =	swait.ge [sflag:s8], $0x4000  }
.Ltmp1:
0x11: {  	[sflag:s8] =	ssyncset.done $0x0;
	(pc) =	sbr.rel @!p0 .LBB2_3-.Ltmp1, $4  }
0x12: {  	[sflag:s8] =	ssyncadd.s32 $0xFFFFC000  }
0x13: {  	[hbm4b:s4+s6] =	stream.linear.scatter [tilespmem:s7], [sflag:$0x2], $0x4000, $0x38;
	[tilespmem:$0x4080] =	vst v63  }
0x14: {  	_ =	swait.ge [sflag:s5], $0x4000  }
0x15: {  	s9 =	sadd.s32 $0xFFFFFFFF, s9;
	[sflag:s5] =	ssyncset.done $0x0  }
.LBB2_2:
0x16: {  	p0 =	sne.s32 s9, $0x1;
	s9 =	sadd.s32 $0xFFFFFFFF, s9;
	[sflag:s5] =	ssyncadd.s32 $0xFFFFC000  }
0x17: {  	[tilespmem:s6], [sflag:$0x2] =	stream.linear.gather [hbm4b:s3+s6], $0x80, $0x38;
	[tilespmem:$0x4080] =	vst v63  }
0x18: {  	_ =	swait.ge [sflag:s5], $0x80  }
0x19: {  	[sflag:s5] =	ssyncset.done $0x0  }
0x1a: {  	[sflag:s5] =	ssyncadd.s32 $0xFFFFFF80  }
0x1b: {  	[tilespmem:s7], [sflag:$0x1] =	stream.indirect.gather [hbm4b:s2+s7], $0x80, s6, s7, $0xb8;
	[tilespmem:$0x4080] =	vst v63  }
0x1c: {  	_ =	swait.ge [sflag:s8], $0x4000  }
.Ltmp2:
0x1d: {  	[sflag:s8] =	ssyncset.done $0x0;
	(pc) =	sbr.rel @p0 .LBB2_2-.Ltmp2, $4  }
0x1e: {  	[sflag:s8] =	ssyncadd.s32 $0xFFFFC000  }
0x1f: {  	[hbm4b:s4+s6] =	stream.linear.scatter [tilespmem:s7], [sflag:$0x2], $0x4000, $0x38;
	[tilespmem:$0x4080] =	vst v63  }
0x20: {  	_ =	swait.ge [sflag:s5], $0x4000  }
0x21: {  	[sflag:s5] =	ssyncset.done $0x0  }
.LBB2_3:
0x22: {  	[sflag:s5] =	ssyncadd.s32 $0xFFFFC000  }
.LBB2_4:
0x23: {  	_ =	sfence.sel $0x180000  }
0x24: {  	[bflag:$0x0] =	sbarrier.arrive $0xFFFF  }
0x25: {  	p0 =	sne.s32 s0, $0x0;
	_ =	strace $0x90000047  }
0x26: {  	s0 =	sadd.s32 @!p0 $0x100000, s1;
	[bflag:$0x2] =	sbarrier.arrive $0xFFFF  }
0x27: {  	[sflag:s0] =	ssyncadd.tile.s32 @!p0 $0x1;
	_ =	shalt  }
.Lfunc_end2:
_tile_overlayer_lowered:
.L_overlay_start_2:
0x28: {  	(tag) =	ssettag $0x2  }
0x29: {  	s0 =	rddreg [dreg:$0x0];
	s2 =	stileid.u32  }
0x2a: {  	s1 =	rddreg [dreg:$0x1];
	p0 =	sne.s32 s2, $0x0  }
0x2b: {  	s3 =	rddreg [dreg:$0x2];
	[bflag:$0x3] =	sbarrier.arrive $0xFFFF;
	s2 =	simm.s32 @!p0 $0x1C02  }
0x2c: {  	[timem:s3], [sflag:s2] =	dma.local @!p0 [hbm:s0], s1  }
0x2d: {  	s0 =	simm.s32 @!p0 $0x2  }
0x2e: {  	_ =	swait.ge @!p0 [sflag:s0], s1  }
0x2f: {  	s1 =	ssub.s32 @!p0 $0x0, s1;
	[sflag:s0] =	ssyncset.done @!p0 $0x0  }
0x30: {  	[sflag:s0] =	ssyncadd.s32 @!p0 s1  }
0x31: {  	[bflag:$0x3] =	sbarrier.arrive $0xFFFF  }
0x32: {  	_ =	shalt  }

</sc_bundles>
